<compile_context>
chip_gen: v7x
topology: tpu7x:2x2x1
jax: 0.10.2.dev20260603
libtpu: 0.0.44.dev20260713+nightly
codegen_flags: <defaults>
</compile_context>

<pallas_src>
import jax
import jax.numpy as jnp
from jax import lax
from jax.experimental import pallas as pl
from jax.experimental.pallas import tpu as pltpu
from jax.experimental.pallas import tpu_sc as plsc

N = 10000
E = 320000
M = 10000
G = 8
D_FEAT = 128
HID = 256
TGT = 128
ATTN_D = 256

NC = 2
NS = 16
NW = NC * NS
EPW = E // NW
CH = 80
NCHUNK = EPW // CH
RPT = 632
DR = 80

_f32 = jnp.float32


def _attn_pool(z, batch2d, aW, ab, bW, bb, cw_row, cb0):
    R = z.shape[0]
    a = jnp.tanh(jnp.dot(z, aW, preferred_element_type=_f32) + ab[None, :])
    gt = jax.nn.sigmoid(jnp.dot(z, bW, preferred_element_type=_f32) + bb[None, :])
    A = jnp.sum(a * gt * cw_row, axis=1, keepdims=True) + cb0
    onehot = batch2d == lax.broadcasted_iota(jnp.int32, (R, G), 1)
    Am = jnp.where(onehot, A, -1e30)
    smax = jnp.max(Am, axis=0, keepdims=True)
    smax_n = jnp.sum(jnp.where(onehot, smax, 0.0), axis=1, keepdims=True)
    ex = jnp.exp(A - smax_n)
    w = jnp.where(onehot, ex, 0.0)
    den = jnp.sum(w, axis=0)
    den = jnp.where(den > 0.0, den, 1.0)
    num = lax.dot_general(w, z, (((0,), (0,)), ((), ())),
                          preferred_element_type=_f32)
    return num / den[:, None]


def _tc1_body(x_ref, batch_ref, W1_ref, b1_ref, bng_ref, bnb_ref,
              l0W_ref, l0b_ref, convW_ref, l1W_ref,
              aW_ref, ab_ref, bW_ref, bb_ref, cW_ref, cb_ref,
              g_out, pool0_out):
    x = x_ref[...]
    y = jnp.dot(x, W1_ref[...], preferred_element_type=_f32) + b1_ref[...][None, :]
    mu = jnp.mean(y, axis=0, keepdims=True)
    yc = y - mu
    var = jnp.mean(yc * yc, axis=0, keepdims=True)
    h = jnp.maximum(
        yc * lax.rsqrt(var + 1e-5) * bng_ref[...][None, :] + bnb_ref[...][None, :],
        0.0)
    z0 = jnp.dot(h, l0W_ref[...], preferred_element_type=_f32) + l0b_ref[...][None, :]
    Wc = jnp.dot(convW_ref[...], l1W_ref[...], preferred_element_type=_f32)
    g_out[...] = jnp.dot(h, Wc, preferred_element_type=_f32)
    cw_row = cW_ref[...].reshape(1, ATTN_D)
    pool0_out[...] = _attn_pool(z0, batch_ref[...], aW_ref[...], ab_ref[...],
                                bW_ref[...], bb_ref[...], cw_row, cb_ref[0])


def _tcdeg_body(bhp_ref, binv_out):
    bh = jnp.sum(bhp_ref[...], axis=0, keepdims=True)
    binv_out[...] = jnp.where(bh > 0.0, 1.0 / bh, 0.0)


def _tcsum_body(dnp_ref, dn_out):
    dn_out[...] = jnp.sum(dnp_ref[...], axis=0, keepdims=True)


def _tccomb_body(pA_ref, binv_ref, u_out):
    u_out[...] = binv_ref[...] * (pA_ref[0] + pA_ref[1])


def _tc2_body(q_ref, dinv_ref, batch_ref, convb_ref, l1W_ref, l1b_ref,
              aW_ref, ab_ref, bW_ref, bb_ref, cW_ref, cb_ref, pool0_ref,
              out_ref):
    s = q_ref[0] + q_ref[1]
    dn = dinv_ref[...]
    dinv = jnp.where(dn > 0.0, 1.0 / dn, 0.0)
    const_row = (jnp.dot(convb_ref[...][None, :], l1W_ref[...],
                         preferred_element_type=_f32) + l1b_ref[...][None, :])
    z1 = dinv * s + const_row
    cw_row = cW_ref[...].reshape(1, ATTN_D)
    pool1 = _attn_pool(z1, batch_ref[...], aW_ref[...], ab_ref[...],
                       bW_ref[...], bb_ref[...], cw_row, cb_ref[0])
    out_ref[...] = pool0_ref[...] + pool1


def _edge_pipeline(tbl_hbm, gidx_hbm, sidx_hbm, acc, base,
                   gi, si, rows, semG, semI, deg=None):
    def off(i):
        return pl.multiple_of(base + i * CH, 8)

    def start_idx(i, b):
        pltpu.async_copy(gidx_hbm.at[pl.ds(off(i), CH)], gi[b], semI[b])
        pltpu.async_copy(sidx_hbm.at[pl.ds(off(i), CH)], si[b], semI[b])

    def wait_idx(i, b):
        pltpu.make_async_copy(gidx_hbm.at[pl.ds(off(i), CH)], gi[b], semI[b]).wait()
        pltpu.make_async_copy(sidx_hbm.at[pl.ds(off(i), CH)], si[b], semI[b]).wait()

    def start_gather(b):
        pltpu.async_copy(tbl_hbm.at[gi[b]], rows[b], semG[b])

    def wait_gather(b):
        pltpu.make_async_copy(tbl_hbm.at[gi[b]], rows[b], semG[b]).wait()

    pltpu.sync_copy(gidx_hbm.at[pl.ds(off(0), CH)], gi[0])
    pltpu.sync_copy(sidx_hbm.at[pl.ds(off(0), CH)], si[0])
    start_gather(0)
    start_idx(1, 1)
    wait_idx(1, 1)
    start_gather(1)
    start_idx(2, 2)

    def body(i, c, n, nn):
        wait_gather(c)

        @pl.when(i + 2 < NCHUNK)
        def _():
            wait_idx(i + 2, nn)
            start_gather(nn)

        pltpu.sync_copy(rows[c], acc.at[si[c]], add=True)
        if deg is not None:
            dp, ones16 = deg
            for k in range(CH // 16):
                v = si[c][pl.ds(k * 16, 16)]
                plsc.addupdate_scatter(dp, [v], ones16)

        @pl.when(i + 3 < NCHUNK)
        def _():
            start_idx(i + 3, c)

    @pl.loop(0, (NCHUNK + 2) // 3)
    def _triples(j):
        i = 3 * j
        body(i, 0, 1, 2)

        @pl.when(i + 1 < NCHUNK)
        def _():
            body(i + 1, 1, 2, 0)

        @pl.when(i + 2 < NCHUNK)
        def _():
            body(i + 2, 2, 0, 1)


def _sc_phase_a(g_hbm, ein_hbm, eih_hbm, z_hbm, zf_hbm, pA, bhp_out,
                acc, bhp, gi0, gi1, gi2, si0, si1, si2, r0b, r1b, r2b,
                sG0, sG1, sG2, sI0, sI1, sI2):
    cid = lax.axis_index("c")
    sid = lax.axis_index("s")
    wid = cid * NS + sid

    r0 = pl.multiple_of(jnp.minimum(sid * RPT, M - RPT), 8)
    pltpu.sync_copy(z_hbm.at[pl.ds(r0, RPT)], acc.at[pl.ds(r0, RPT)])
    pltpu.sync_copy(zf_hbm, bhp)
    plsc.subcore_barrier()

    ones16 = jnp.ones((16,), _f32)
    _edge_pipeline(g_hbm, ein_hbm, eih_hbm, acc, wid * EPW,
                   (gi0, gi1, gi2), (si0, si1, si2), (r0b, r1b, r2b),
                   (sG0, sG1, sG2), (sI0, sI1, sI2), deg=(bhp, ones16))

    plsc.subcore_barrier()

    pltpu.sync_copy(acc.at[pl.ds(r0, RPT)], pA.at[cid, pl.ds(r0, RPT)])
    pltpu.sync_copy(bhp, bhp_out.at[wid])


def _sc_phase_b(u_hbm, ein_hbm, eih_hbm, z_hbm, zf_hbm, qB, dnp_out,
                acc, dnp, gi0, gi1, gi2, si0, si1, si2, r0b, r1b, r2b,
                sG0, sG1, sG2, sI0, sI1, sI2):
    cid = lax.axis_index("c")
    sid = lax.axis_index("s")
    wid = cid * NS + sid

    r0 = pl.multiple_of(jnp.minimum(sid * RPT, N - RPT), 8)
    pltpu.sync_copy(z_hbm.at[pl.ds(r0, RPT)], acc.at[pl.ds(r0, RPT)])
    pltpu.sync_copy(zf_hbm, dnp)
    plsc.subcore_barrier()

    ones16 = jnp.ones((16,), _f32)
    _edge_pipeline(u_hbm, eih_hbm, ein_hbm, acc, wid * EPW,
                   (gi0, gi1, gi2), (si0, si1, si2), (r0b, r1b, r2b),
                   (sG0, sG1, sG2), (sI0, sI1, sI2), deg=(dnp, ones16))

    plsc.subcore_barrier()
    pltpu.sync_copy(acc.at[pl.ds(r0, RPT)], qB.at[cid, pl.ds(r0, RPT)])
    pltpu.sync_copy(dnp, dnp_out.at[wid])


def kernel(x, edge_index, batch, W1, b1, bn_g, bn_b, lin0_W, lin0_b,
           conv_W, conv_b, lin1_W, lin1_b, aW, ab, bW, bb, cW, cb):
    batch2d = batch.reshape(N, 1)
    ein = edge_index[0]
    eih = edge_index[1]
    zeros_hbm = jnp.zeros((M, TGT), _f32)
    zflat_hbm = jnp.zeros((DR * 128,), _f32)

    g_arr, pool0 = pl.pallas_call(
        _tc1_body,
        out_shape=[jax.ShapeDtypeStruct((N, TGT), _f32),
                   jax.ShapeDtypeStruct((G, TGT), _f32)],
    )(x, batch2d, W1, b1, bn_g, bn_b, lin0_W, lin0_b, conv_W, lin1_W,
      aW, ab, bW, bb, cW, cb)

    mesh = plsc.VectorSubcoreMesh(core_axis_name="c", subcore_axis_name="s")

    sca = pl.kernel(
        _sc_phase_a,
        out_type=[jax.ShapeDtypeStruct((NC, M, TGT), _f32),
                  jax.ShapeDtypeStruct((NW, DR * 128), _f32)],
        mesh=mesh,
        scratch_types=(
            [pltpu.VMEM_SHARED((M, TGT), _f32),
             pltpu.VMEM((DR * 128,), _f32)]
            + [pltpu.VMEM((CH,), jnp.int32)] * 6
            + [pltpu.VMEM((CH, TGT), _f32)] * 3
            + [pltpu.SemaphoreType.DMA] * 6
        ),
        compiler_params=pltpu.CompilerParams(needs_layout_passes=False),
    )
    pA, bhp = sca(g_arr, ein, eih, zeros_hbm, zflat_hbm)

    binv_flat = pl.pallas_call(
        _tcdeg_body,
        out_shape=jax.ShapeDtypeStruct((1, DR * 128), _f32),
    )(bhp)
    binv_col = binv_flat.reshape(DR * 128, 1)[:M]

    u = pl.pallas_call(
        _tccomb_body,
        out_shape=jax.ShapeDtypeStruct((M, TGT), _f32),
    )(pA, binv_col)

    scb = pl.kernel(
        _sc_phase_b,
        out_type=[jax.ShapeDtypeStruct((NC, N, TGT), _f32),
                  jax.ShapeDtypeStruct((NW, DR * 128), _f32)],
        mesh=mesh,
        scratch_types=(
            [pltpu.VMEM_SHARED((N, TGT), _f32),
             pltpu.VMEM((DR * 128,), _f32)]
            + [pltpu.VMEM((CH,), jnp.int32)] * 6
            + [pltpu.VMEM((CH, TGT), _f32)] * 3
            + [pltpu.SemaphoreType.DMA] * 6
        ),
        compiler_params=pltpu.CompilerParams(needs_layout_passes=False),
    )
    qB, dnp = scb(u, ein, eih, zeros_hbm, zflat_hbm)

    dn_flat = pl.pallas_call(
        _tcsum_body,
        out_shape=jax.ShapeDtypeStruct((1, DR * 128), _f32),
    )(dnp)
    dn_col = dn_flat.reshape(DR * 128, 1)[:N]

    out = pl.pallas_call(
        _tc2_body,
        out_shape=jax.ShapeDtypeStruct((G, TGT), _f32),
    )(qB, dn_col, batch2d, conv_b, lin1_W, lin1_b,
      aW, ab, bW, bb, cW, cb, pool0)
    return out

# --- scband reference (transcript-rebuilt; emitter-appended) ---
"""Pipeline reference for scband-gnn-encoder-44057774522941 (READ-ONLY COPY).

The authoritative reference and input builder live on the scoring server;
editing this copy changes nothing except your own understanding.
"""

import jax, jax.numpy as jnp
import numpy as np

N = 10000
E = 320000
M = 10000
G = 8
D_FEAT = 128
HID = 256
TGT = 128
ATTN_D = 256


def _lin_init(k, fin, fout):
    s = 1.0 / np.sqrt(fin)
    kw, kb = jax.random.split(k)
    W = jax.random.uniform(kw, (fin, fout), minval=-s, maxval=s, dtype=jnp.float32)
    b = jax.random.uniform(kb, (fout,), minval=-s, maxval=s, dtype=jnp.float32)
    return W, b


def setup_inputs(seed: int = 0):
    key = jax.random.key(seed)
    ks = jax.random.split(key, 12)
    x = jax.random.normal(ks[0], (N, D_FEAT), dtype=jnp.float32)
    edge_index = jax.random.randint(ks[1], (2, E), 0, M, dtype=jnp.int32)
    batch = jnp.sort(jax.random.randint(ks[2], (N,), 0, G, dtype=jnp.int32))
    W1, b1 = _lin_init(ks[3], D_FEAT, HID)
    bn_g = jnp.ones((HID,), jnp.float32)
    bn_b = jnp.zeros((HID,), jnp.float32)
    lin0_W, lin0_b = _lin_init(ks[4], HID, TGT)
    conv_W, conv_b = _lin_init(ks[5], HID, HID)
    lin1_W, lin1_b = _lin_init(ks[6], HID, TGT)
    aW, ab = _lin_init(ks[7], TGT, ATTN_D)
    bW, bb = _lin_init(ks[8], TGT, ATTN_D)
    cW, cb = _lin_init(ks[9], ATTN_D, 1)
    return {"x": x, "edge_index": edge_index, "batch": batch,
            "W1": W1, "b1": b1, "bn_g": bn_g, "bn_b": bn_b,
            "lin0_W": lin0_W, "lin0_b": lin0_b,
            "conv_W": conv_W, "conv_b": conv_b,
            "lin1_W": lin1_W, "lin1_b": lin1_b,
            "aW": aW, "ab": ab, "bW": bW, "bb": bb, "cW": cW, "cb": cb}


def _bn(h, g, b):
    mu = jnp.mean(h, axis=0)
    var = jnp.var(h, axis=0)
    return (h - mu) / jnp.sqrt(var + 1e-5) * g + b


def _global_attention(z, batch, aW, ab, bW, bb, cW, cb):
    # Attn_Net_Gated gate scores + per-graph softmax + weighted sum (PyG GlobalAttention)
    a = jnp.tanh(z @ aW + ab)
    gate = jax.nn.sigmoid(z @ bW + bb)
    A = ((a * gate) @ cW + cb)[:, 0]
    smax = jax.ops.segment_max(A, batch, num_segments=G)
    ex = jnp.exp(A - smax[batch])
    den = jax.ops.segment_sum(ex, batch, num_segments=G)
    attn = ex / den[batch]
    pooled = jax.ops.segment_sum(attn[:, None] * z, batch, num_segments=G)
    return pooled


def _hyperconv(h, edge_index, W, bias):
    # PyG HypergraphConv (use_attention=False, unit hyperedge weights):
    # X' = D^-1 H B^-1 H^T X Theta + bias
    node = edge_index[0]
    he = edge_index[1]
    hx = h @ W
    ones = jnp.ones((edge_index.shape[1],), hx.dtype)
    Dn = jax.ops.segment_sum(ones, node, num_segments=N)
    Dinv = jnp.where(Dn > 0, 1.0 / Dn, 0.0)
    Bh = jax.ops.segment_sum(ones, he, num_segments=M)
    Binv = jnp.where(Bh > 0, 1.0 / Bh, 0.0)
    he_feat = Binv[:, None] * jax.ops.segment_sum(hx[node], he, num_segments=M)
    out = Dinv[:, None] * jax.ops.segment_sum(he_feat[he], node, num_segments=N)
    return out + bias


def reference(x, edge_index, batch, W1, b1, bn_g, bn_b, lin0_W, lin0_b, conv_W, conv_b, lin1_W, lin1_b, aW, ab, bW, bb, cW, cb):
    # layer 0: first_h = Linear + BatchNorm1d + ReLU
    h = jax.nn.relu(_bn(x @ W1 + b1, bn_g, bn_b))
    z0 = h @ lin0_W + lin0_b
    out = _global_attention(z0, batch, aW, ab, bW, bb, cW, cb)
    # layer 1: HypergraphConv, then linear head + attention pooling (gembed=False)
    h1 = _hyperconv(h, edge_index, conv_W, conv_b)
    z1 = h1 @ lin1_W + lin1_b
    out = out + _global_attention(z1, batch, aW, ab, bW, bb, cW, cb)
    return out

if __name__ == "__main__":
    import jax
    _d = setup_inputs()
    print(jax.jit(kernel)(*tuple(_d.values())))

</pallas_src>

<mosaic_0001>
#map = affine_map<(d0, d1) -> (0, 0)>
#map1 = affine_map<(d0, d1) -> (0)>
#map2 = affine_map<(d0, d1) -> (0, 0, 0)>
module attributes {stable_mosaic.version = 14 : i64} {
  func.func @_sc_phase_b(%arg0: i32, %arg1: i32, %arg2: memref<10000x128xf32, #tpu.memory_space<hbm>>, %arg3: memref<320000xi32, #tpu.memory_space<hbm>>, %arg4: memref<320000xi32, #tpu.memory_space<hbm>>, %arg5: memref<10000x128xf32, #tpu.memory_space<hbm>>, %arg6: memref<10240xf32, #tpu.memory_space<hbm>>, %arg7: memref<2x10000x128xf32, #tpu.memory_space<hbm>>, %arg8: memref<32x10240xf32, #tpu.memory_space<hbm>>, %arg9: memref<10000x128xf32, #tpu.memory_space<vmem_shared>>, %arg10: memref<10240xf32, #tpu.memory_space<vmem>>, %arg11: memref<80xi32, #tpu.memory_space<vmem>>, %arg12: memref<80xi32, #tpu.memory_space<vmem>>, %arg13: memref<80xi32, #tpu.memory_space<vmem>>, %arg14: memref<80xi32, #tpu.memory_space<vmem>>, %arg15: memref<80xi32, #tpu.memory_space<vmem>>, %arg16: memref<80xi32, #tpu.memory_space<vmem>>, %arg17: memref<80x128xf32, #tpu.memory_space<vmem>>, %arg18: memref<80x128xf32, #tpu.memory_space<vmem>>, %arg19: memref<80x128xf32, #tpu.memory_space<vmem>>, %arg20: memref<!tpu.dma_semaphore, #tpu.memory_space<semaphore_mem>>, %arg21: memref<!tpu.dma_semaphore, #tpu.memory_space<semaphore_mem>>, %arg22: memref<!tpu.dma_semaphore, #tpu.memory_space<semaphore_mem>>, %arg23: memref<!tpu.dma_semaphore, #tpu.memory_space<semaphore_mem>>, %arg24: memref<!tpu.dma_semaphore, #tpu.memory_space<semaphore_mem>>, %arg25: memref<!tpu.dma_semaphore, #tpu.memory_space<semaphore_mem>>) attributes {dimension_semantics = [#tpu.dimension_semantics<core_parallel>, #tpu.dimension_semantics<subcore_parallel>], iteration_bounds = array<i64: 2, 16>, scalar_prefetch = 0 : i64, scratch_operands = 17 : i64, tpu.core_type = #tpu.core_type<sc_vector_subcore>, window_params = [{transform_indices = #map}, {transform_indices = #map1}, {transform_indices = #map1}, {transform_indices = #map}, {transform_indices = #map1}, {transform_indices = #map2}, {transform_indices = #map}]} {
    %mul3A = arith.constant 16 : i32
    %mul3A_0 = arith.muli %arg0, %mul3A : i32
    %add3A = arith.addi %mul3A_0, %arg1 : i32
    %mul3A_1 = arith.constant 632 : i32
    %mul3A_2 = arith.muli %arg1, %mul3A_1 : i32
    %min3A = arith.constant 9368 : i32
    %min3A_3 = arith.minsi %mul3A_2, %min3A : i32
    %multiple_of3A = tpu.assume_multiple %min3A_3, 8 : i32
    "tpu.region"() ({
      %run_scoped3A = tpu.sem_alloc : memref<!tpu.dma_semaphore, #tpu.memory_space<semaphore_mem>>
      %dma_start3A_52 = arith.constant 0 : i32
      %dma_start3A_53 = tpu.memref_slice %arg9[%multiple_of3A, %dma_start3A_52] : memref<10000x128xf32, #tpu.memory_space<vmem_shared>> -> memref<632x128xf32, #tpu.memory_space<vmem_shared>>
      %dma_start3A_54 = arith.constant 0 : i32
      %dma_start3A_55 = tpu.memref_slice %arg5[%multiple_of3A, %dma_start3A_54] : memref<10000x128xf32, #tpu.memory_space<hbm>> -> memref<632x128xf32, #tpu.memory_space<hbm>>
      tpu.enqueue_dma source(%dma_start3A_55 : memref<632x128xf32, #tpu.memory_space<hbm>>) target(%dma_start3A_53 : memref<632x128xf32, #tpu.memory_space<vmem_shared>>) target_semaphore(%run_scoped3A : memref<!tpu.dma_semaphore, #tpu.memory_space<semaphore_mem>>)
      %dma_wait3A_56 = arith.constant 0 : i32
      %dma_wait3A_57 = tpu.memref_slice %arg9[%multiple_of3A, %dma_wait3A_56] : memref<10000x128xf32, #tpu.memory_space<vmem_shared>> -> memref<632x128xf32, #tpu.memory_space<vmem_shared>>
      %dma_wait3A_58 = arith.constant 0 : i32
      %dma_wait3A_59 = tpu.memref_slice %arg5[%multiple_of3A, %dma_wait3A_58] : memref<10000x128xf32, #tpu.memory_space<hbm>> -> memref<632x128xf32, #tpu.memory_space<hbm>>
      tpu.wait_dma2 semaphore(%run_scoped3A : memref<!tpu.dma_semaphore, #tpu.memory_space<semaphore_mem>>) src(%dma_wait3A_59 : memref<632x128xf32, #tpu.memory_space<hbm>>) dst(%dma_wait3A_57 : memref<632x128xf32, #tpu.memory_space<vmem_shared>>)
      tpu.yield
    }) : () -> ()
    "tpu.region"() ({
      %run_scoped3A = tpu.sem_alloc : memref<!tpu.dma_semaphore, #tpu.memory_space<semaphore_mem>>
      tpu.enqueue_dma source(%arg6 : memref<10240xf32, #tpu.memory_space<hbm>>) target(%arg10 : memref<10240xf32, #tpu.memory_space<vmem>>) target_semaphore(%run_scoped3A : memref<!tpu.dma_semaphore, #tpu.memory_space<semaphore_mem>>)
      tpu.wait_dma2 semaphore(%run_scoped3A : memref<!tpu.dma_semaphore, #tpu.memory_space<semaphore_mem>>) src(%arg6 : memref<10240xf32, #tpu.memory_space<hbm>>) dst(%arg10 : memref<10240xf32, #tpu.memory_space<vmem>>)
      tpu.yield
    }) : () -> ()
    %barrier3A = arith.constant 0 : index
    tpu.barrier barrier_id(%barrier3A)
    %broadcast_in_dim3A = arith.constant 1.000000e+00 : f32
    %broadcast_in_dim3A_4 = vector.broadcast %broadcast_in_dim3A : f32 to vector<16xf32>
    %mul3A_5 = arith.constant 10000 : i32
    %mul3A_6 = arith.muli %add3A, %mul3A_5 : i32
    %add3A_7 = arith.constant 0 : i32
    %add3A_8 = arith.addi %mul3A_6, %add3A_7 : i32
    %multiple_of3A_9 = tpu.assume_multiple %add3A_8, 8 : i32
    "tpu.region"() ({
      %run_scoped3A = tpu.sem_alloc : memref<!tpu.dma_semaphore, #tpu.memory_space<semaphore_mem>>
      %dma_start3A_52 = tpu.memref_slice %arg4[%multiple_of3A_9] : memref<320000xi32, #tpu.memory_space<hbm>> -> memref<80xi32, #tpu.memory_space<hbm>>
      %dma_start3A_53 = tpu.memref_slice %arg4[%multiple_of3A_9] : memref<320000xi32, #tpu.memory_space<hbm>> -> memref<80xi32, #tpu.memory_space<hbm>>
      tpu.enqueue_dma source(%dma_start3A_53 : memref<80xi32, #tpu.memory_space<hbm>>) target(%arg11 : memref<80xi32, #tpu.memory_space<vmem>>) target_semaphore(%run_scoped3A : memref<!tpu.dma_semaphore, #tpu.memory_space<semaphore_mem>>)
      %dma_wait3A_54 = tpu.memref_slice %arg4[%multiple_of3A_9] : memref<320000xi32, #tpu.memory_space<hbm>> -> memref<80xi32, #tpu.memory_space<hbm>>
      %dma_wait3A_55 = tpu.memref_slice %arg4[%multiple_of3A_9] : memref<320000xi32, #tpu.memory_space<hbm>> -> memref<80xi32, #tpu.memory_space<hbm>>
      tpu.wait_dma2 semaphore(%run_scoped3A : memref<!tpu.dma_semaphore, #tpu.memory_space<semaphore_mem>>) src(%dma_wait3A_55 : memref<80xi32, #tpu.memory_space<hbm>>) dst(%arg11 : memref<80xi32, #tpu.memory_space<vmem>>)
      tpu.yield
    }) : () -> ()
    %add3A_10 = arith.constant 0 : i32
    %add3A_11 = arith.addi %mul3A_6, %add3A_10 : i32
    %multiple_of3A_12 = tpu.assume_multiple %add3A_11, 8 : i32
    "tpu.region"() ({
      %run_scoped3A = tpu.sem_alloc : memref<!tpu.dma_semaphore, #tpu.memory_space<semaphore_mem>>
      %dma_start3A_52 = tpu.memref_slice %arg3[%multiple_of3A_12] : memref<320000xi32, #tpu.memory_space<hbm>> -> memref<80xi32, #tpu.memory_space<hbm>>
      %dma_start3A_53 = tpu.memref_slice %arg3[%multiple_of3A_12] : memref<320000xi32, #tpu.memory_space<hbm>> -> memref<80xi32, #tpu.memory_space<hbm>>
      tpu.enqueue_dma source(%dma_start3A_53 : memref<80xi32, #tpu.memory_space<hbm>>) target(%arg14 : memref<80xi32, #tpu.memory_space<vmem>>) target_semaphore(%run_scoped3A : memref<!tpu.dma_semaphore, #tpu.memory_space<semaphore_mem>>)
      %dma_wait3A_54 = tpu.memref_slice %arg3[%multiple_of3A_12] : memref<320000xi32, #tpu.memory_space<hbm>> -> memref<80xi32, #tpu.memory_space<hbm>>
      %dma_wait3A_55 = tpu.memref_slice %arg3[%multiple_of3A_12] : memref<320000xi32, #tpu.memory_space<hbm>> -> memref<80xi32, #tpu.memory_space<hbm>>
      tpu.wait_dma2 semaphore(%run_scoped3A : memref<!tpu.dma_semaphore, #tpu.memory_space<semaphore_mem>>) src(%dma_wait3A_55 : memref<80xi32, #tpu.memory_space<hbm>>) dst(%arg14 : memref<80xi32, #tpu.memory_space<vmem>>)
      tpu.yield
    }) : () -> ()
    %dma_start3A = arith.constant 0 : i32
    %dma_start3A_13 = arith.constant 0 : i32
    %dma_start3A_14 = tpu.memref_slice %arg2[%dma_start3A, %dma_start3A_13] : memref<10000x128xf32, #tpu.memory_space<hbm>> -> memref<10000x128xf32, #tpu.memory_space<hbm>>
    tpu.enqueue_indirect_dma source(%dma_start3A_14 : memref<10000x128xf32, #tpu.memory_space<hbm>>) target(%arg17 : memref<80x128xf32, #tpu.memory_space<vmem>>) offsets(%arg11 : memref<80xi32, #tpu.memory_space<vmem>>) semaphore(%arg20 : memref<!tpu.dma_semaphore, #tpu.memory_space<semaphore_mem>>)
    %add3A_15 = arith.constant 80 : i32
    %add3A_16 = arith.addi %mul3A_6, %add3A_15 : i32
    %multiple_of3A_17 = tpu.assume_multiple %add3A_16, 8 : i32
    %dma_start3A_18 = tpu.memref_slice %arg4[%multiple_of3A_17] : memref<320000xi32, #tpu.memory_space<hbm>> -> memref<80xi32, #tpu.memory_space<hbm>>
    %dma_start3A_19 = tpu.memref_slice %arg4[%multiple_of3A_17] : memref<320000xi32, #tpu.memory_space<hbm>> -> memref<80xi32, #tpu.memory_space<hbm>>
    tpu.enqueue_dma source(%dma_start3A_19 : memref<80xi32, #tpu.memory_space<hbm>>) target(%arg12 : memref<80xi32, #tpu.memory_space<vmem>>) target_semaphore(%arg24 : memref<!tpu.dma_semaphore, #tpu.memory_space<semaphore_mem>>)
    %add3A_20 = arith.constant 80 : i32
    %add3A_21 = arith.addi %mul3A_6, %add3A_20 : i32
    %multiple_of3A_22 = tpu.assume_multiple %add3A_21, 8 : i32
    %dma_start3A_23 = tpu.memref_slice %arg3[%multiple_of3A_22] : memref<320000xi32, #tpu.memory_space<hbm>> -> memref<80xi32, #tpu.memory_space<hbm>>
    %dma_start3A_24 = tpu.memref_slice %arg3[%multiple_of3A_22] : memref<320000xi32, #tpu.memory_space<hbm>> -> memref<80xi32, #tpu.memory_space<hbm>>
    tpu.enqueue_dma source(%dma_start3A_24 : memref<80xi32, #tpu.memory_space<hbm>>) target(%arg15 : memref<80xi32, #tpu.memory_space<vmem>>) target_semaphore(%arg24 : memref<!tpu.dma_semaphore, #tpu.memory_space<semaphore_mem>>)
    %add3A_25 = arith.constant 80 : i32
    %add3A_26 = arith.addi %mul3A_6, %add3A_25 : i32
    %multiple_of3A_27 = tpu.assume_multiple %add3A_26, 8 : i32
    %dma_wait3A = tpu.memref_slice %arg4[%multiple_of3A_27] : memref<320000xi32, #tpu.memory_space<hbm>> -> memref<80xi32, #tpu.memory_space<hbm>>
    %dma_wait3A_28 = tpu.memref_slice %arg4[%multiple_of3A_27] : memref<320000xi32, #tpu.memory_space<hbm>> -> memref<80xi32, #tpu.memory_space<hbm>>
    tpu.wait_dma2 semaphore(%arg24 : memref<!tpu.dma_semaphore, #tpu.memory_space<semaphore_mem>>) src(%dma_wait3A_28 : memref<80xi32, #tpu.memory_space<hbm>>) dst(%arg12 : memref<80xi32, #tpu.memory_space<vmem>>)
    %add3A_29 = arith.constant 80 : i32
    %add3A_30 = arith.addi %mul3A_6, %add3A_29 : i32
    %multiple_of3A_31 = tpu.assume_multiple %add3A_30, 8 : i32
    %dma_wait3A_32 = tpu.memref_slice %arg3[%multiple_of3A_31] : memref<320000xi32, #tpu.memory_space<hbm>> -> memref<80xi32, #tpu.memory_space<hbm>>
    %dma_wait3A_33 = tpu.memref_slice %arg3[%multiple_of3A_31] : memref<320000xi32, #tpu.memory_space<hbm>> -> memref<80xi32, #tpu.memory_space<hbm>>
    tpu.wait_dma2 semaphore(%arg24 : memref<!tpu.dma_semaphore, #tpu.memory_space<semaphore_mem>>) src(%dma_wait3A_33 : memref<80xi32, #tpu.memory_space<hbm>>) dst(%arg15 : memref<80xi32, #tpu.memory_space<vmem>>)
    %dma_start3A_34 = arith.constant 0 : i32
    %dma_start3A_35 = arith.constant 0 : i32
    %dma_start3A_36 = tpu.memref_slice %arg2[%dma_start3A_34, %dma_start3A_35] : memref<10000x128xf32, #tpu.memory_space<hbm>> -> memref<10000x128xf32, #tpu.memory_space<hbm>>
    tpu.enqueue_indirect_dma source(%dma_start3A_36 : memref<10000x128xf32, #tpu.memory_space<hbm>>) target(%arg18 : memref<80x128xf32, #tpu.memory_space<vmem>>) offsets(%arg12 : memref<80xi32, #tpu.memory_space<vmem>>) semaphore(%arg21 : memref<!tpu.dma_semaphore, #tpu.memory_space<semaphore_mem>>)
    %add3A_37 = arith.constant 160 : i32
    %add3A_38 = arith.addi %mul3A_6, %add3A_37 : i32
    %multiple_of3A_39 = tpu.assume_multiple %add3A_38, 8 : i32
    %dma_start3A_40 = tpu.memref_slice %arg4[%multiple_of3A_39] : memref<320000xi32, #tpu.memory_space<hbm>> -> memref<80xi32, #tpu.memory_space<hbm>>
    %dma_start3A_41 = tpu.memref_slice %arg4[%multiple_of3A_39] : memref<320000xi32, #tpu.memory_space<hbm>> -> memref<80xi32, #tpu.memory_space<hbm>>
    tpu.enqueue_dma source(%dma_start3A_41 : memref<80xi32, #tpu.memory_space<hbm>>) target(%arg13 : memref<80xi32, #tpu.memory_space<vmem>>) target_semaphore(%arg25 : memref<!tpu.dma_semaphore, #tpu.memory_space<semaphore_mem>>)
    %add3A_42 = arith.constant 160 : i32
    %add3A_43 = arith.addi %mul3A_6, %add3A_42 : i32
    %multiple_of3A_44 = tpu.assume_multiple %add3A_43, 8 : i32
    %dma_start3A_45 = tpu.memref_slice %arg3[%multiple_of3A_44] : memref<320000xi32, #tpu.memory_space<hbm>> -> memref<80xi32, #tpu.memory_space<hbm>>
    %dma_start3A_46 = tpu.memref_slice %arg3[%multiple_of3A_44] : memref<320000xi32, #tpu.memory_space<hbm>> -> memref<80xi32, #tpu.memory_space<hbm>>
    tpu.enqueue_dma source(%dma_start3A_46 : memref<80xi32, #tpu.memory_space<hbm>>) target(%arg16 : memref<80xi32, #tpu.memory_space<vmem>>) target_semaphore(%arg25 : memref<!tpu.dma_semaphore, #tpu.memory_space<semaphore_mem>>)
    %scan3A = arith.constant 0 : i32
    %scan3A_47 = arith.constant 42 : i32
    %scan3A_48 = arith.addi %scan3A, %scan3A_47 : i32
    %scan3A_49 = arith.constant 1 : i32
    scf.for %scan3A_52 = %scan3A to %scan3A_48 step %scan3A_49  : i32 {
      %mul3A_53 = arith.constant 1 : i32
      %mul3A_54 = arith.muli %scan3A_52, %mul3A_53 : i32
      %add3A_55 = arith.constant 0 : i32
      %add3A_56 = arith.addi %add3A_55, %mul3A_54 : i32
      %mul3A_57 = arith.constant 3 : i32
      %mul3A_58 = arith.muli %mul3A_57, %add3A_56 : i32
      %dma_wait3A_59 = arith.constant 0 : i32
      %dma_wait3A_60 = arith.constant 0 : i32
      %dma_wait3A_61 = tpu.memref_slice %arg2[%dma_wait3A_59, %dma_wait3A_60] : memref<10000x128xf32, #tpu.memory_space<hbm>> -> memref<10000x128xf32, #tpu.memory_space<hbm>>
      tpu.wait_indirect_dma semaphore(%arg20 : memref<!tpu.dma_semaphore, #tpu.memory_space<semaphore_mem>>) src(%dma_wait3A_61 : memref<10000x128xf32, #tpu.memory_space<hbm>>) dst(%arg17 : memref<80x128xf32, #tpu.memory_space<vmem>>)
      %add3A_62 = arith.constant 2 : i32
      %add3A_63 = arith.addi %mul3A_58, %add3A_62 : i32
      %lt3A = arith.constant 125 : i32
      %lt3A_64 = arith.cmpi slt, %add3A_63, %lt3A : i32
      %convert_element_type3A = arith.extui %lt3A_64 : i1 to i32
      %cond3A = arith.constant 0 : i32
      %cond3A_65 = arith.cmpi ne, %convert_element_type3A, %cond3A : i32
      scf.if %cond3A_65 {
        %add3A_96 = arith.constant 2 : i32
        %add3A_97 = arith.addi %mul3A_58, %add3A_96 : i32
        %mul3A_98 = arith.constant 80 : i32
        %mul3A_99 = arith.muli %add3A_97, %mul3A_98 : i32
        %add3A_100 = arith.addi %mul3A_6, %mul3A_99 : i32
        %multiple_of3A_101 = tpu.assume_multiple %add3A_100, 8 : i32
        %dma_wait3A_102 = tpu.memref_slice %arg4[%multiple_of3A_101] : memref<320000xi32, #tpu.memory_space<hbm>> -> memref<80xi32, #tpu.memory_space<hbm>>
        %dma_wait3A_103 = tpu.memref_slice %arg4[%multiple_of3A_101] : memref<320000xi32, #tpu.memory_space<hbm>> -> memref<80xi32, #tpu.memory_space<hbm>>
        tpu.wait_dma2 semaphore(%arg25 : memref<!tpu.dma_semaphore, #tpu.memory_space<semaphore_mem>>) src(%dma_wait3A_103 : memref<80xi32, #tpu.memory_space<hbm>>) dst(%arg13 : memref<80xi32, #tpu.memory_space<vmem>>)
        %mul3A_104 = arith.constant 80 : i32
        %mul3A_105 = arith.muli %add3A_97, %mul3A_104 : i32
        %add3A_106 = arith.addi %mul3A_6, %mul3A_105 : i32
        %multiple_of3A_107 = tpu.assume_multiple %add3A_106, 8 : i32
        %dma_wait3A_108 = tpu.memref_slice %arg3[%multiple_of3A_107] : memref<320000xi32, #tpu.memory_space<hbm>> -> memref<80xi32, #tpu.memory_space<hbm>>
        %dma_wait3A_109 = tpu.memref_slice %arg3[%multiple_of3A_107] : memref<320000xi32, #tpu.memory_space<hbm>> -> memref<80xi32, #tpu.memory_space<hbm>>
        tpu.wait_dma2 semaphore(%arg25 : memref<!tpu.dma_semaphore, #tpu.memory_space<semaphore_mem>>) src(%dma_wait3A_109 : memref<80xi32, #tpu.memory_space<hbm>>) dst(%arg16 : memref<80xi32, #tpu.memory_space<vmem>>)
        %dma_start3A_110 = arith.constant 0 : i32
        %dma_start3A_111 = arith.constant 0 : i32
        %dma_start3A_112 = tpu.memref_slice %arg2[%dma_start3A_110, %dma_start3A_111] : memref<10000x128xf32, #tpu.memory_space<hbm>> -> memref<10000x128xf32, #tpu.memory_space<hbm>>
        tpu.enqueue_indirect_dma source(%dma_start3A_112 : memref<10000x128xf32, #tpu.memory_space<hbm>>) target(%arg19 : memref<80x128xf32, #tpu.memory_space<vmem>>) offsets(%arg13 : memref<80xi32, #tpu.memory_space<vmem>>) semaphore(%arg22 : memref<!tpu.dma_semaphore, #tpu.memory_space<semaphore_mem>>)
      } else {
      }
      "tpu.region"() ({
        %run_scoped3A = tpu.sem_alloc : memref<!tpu.dma_semaphore, #tpu.memory_space<semaphore_mem>>
        %dma_start3A_96 = arith.constant 0 : i32
        %dma_start3A_97 = arith.constant 0 : i32
        %dma_start3A_98 = tpu.memref_slice %arg9[%dma_start3A_96, %dma_start3A_97] : memref<10000x128xf32, #tpu.memory_space<vmem_shared>> -> memref<10000x128xf32, #tpu.memory_space<vmem_shared>>
        tpu.enqueue_indirect_dma source(%arg17 : memref<80x128xf32, #tpu.memory_space<vmem>>) target(%dma_start3A_98 : memref<10000x128xf32, #tpu.memory_space<vmem_shared>>) offsets(%arg14 : memref<80xi32, #tpu.memory_space<vmem>>) semaphore(%run_scoped3A : memref<!tpu.dma_semaphore, #tpu.memory_space<semaphore_mem>>) {add = true}
        %dma_wait3A_99 = arith.constant 0 : i32
        %dma_wait3A_100 = arith.constant 0 : i32
        %dma_wait3A_101 = tpu.memref_slice %arg9[%dma_wait3A_99, %dma_wait3A_100] : memref<10000x128xf32, #tpu.memory_space<vmem_shared>> -> memref<10000x128xf32, #tpu.memory_space<vmem_shared>>
        tpu.wait_indirect_dma semaphore(%run_scoped3A : memref<!tpu.dma_semaphore, #tpu.memory_space<semaphore_mem>>) src(%arg17 : memref<80x128xf32, #tpu.memory_space<vmem>>) dst(%dma_wait3A_101 : memref<10000x128xf32, #tpu.memory_space<vmem_shared>>)
        tpu.yield
      }) : () -> ()
      %get3A = arith.constant 0 : index
      %get3A_66 = tpu.vector_load %arg14[%get3A] {strides = array<i32>} : memref<80xi32, #tpu.memory_space<vmem>>, vector<16xi32>,
      tpu.vector_store_idx %arg10[%get3A_66], %broadcast_in_dim3A_4 {add = true} : memref<10240xf32, #tpu.memory_space<vmem>>[vector<16xi32>], vector<16xf32>,
      %get3A_67 = arith.constant 16 : index
      %get3A_68 = tpu.vector_load %arg14[%get3A_67] {strides = array<i32>} : memref<80xi32, #tpu.memory_space<vmem>>, vector<16xi32>,
      tpu.vector_store_idx %arg10[%get3A_68], %broadcast_in_dim3A_4 {add = true} : memref<10240xf32, #tpu.memory_space<vmem>>[vector<16xi32>], vector<16xf32>,
      %get3A_69 = arith.constant 32 : index
      %get3A_70 = tpu.vector_load %arg14[%get3A_69] {strides = array<i32>} : memref<80xi32, #tpu.memory_space<vmem>>, vector<16xi32>,
      tpu.vector_store_idx %arg10[%get3A_70], %broadcast_in_dim3A_4 {add = true} : memref<10240xf32, #tpu.memory_space<vmem>>[vector<16xi32>], vector<16xf32>,
      %get3A_71 = arith.constant 48 : index
      %get3A_72 = tpu.vector_load %arg14[%get3A_71] {strides = array<i32>} : memref<80xi32, #tpu.memory_space<vmem>>, vector<16xi32>,
      tpu.vector_store_idx %arg10[%get3A_72], %broadcast_in_dim3A_4 {add = true} : memref<10240xf32, #tpu.memory_space<vmem>>[vector<16xi32>], vector<16xf32>,
      %get3A_73 = arith.constant 64 : index
      %get3A_74 = tpu.vector_load %arg14[%get3A_73] {strides = array<i32>} : memref<80xi32, #tpu.memory_space<vmem>>, vector<16xi32>,
      tpu.vector_store_idx %arg10[%get3A_74], %broadcast_in_dim3A_4 {add = true} : memref<10240xf32, #tpu.memory_space<vmem>>[vector<16xi32>], vector<16xf32>,
      %add3A_75 = arith.constant 3 : i32
      %add3A_76 = arith.addi %mul3A_58, %add3A_75 : i32
      %lt3A_77 = arith.constant 125 : i32
      %lt3A_78 = arith.cmpi slt, %add3A_76, %lt3A_77 : i32
      %convert_element_type3A_79 = arith.extui %lt3A_78 : i1 to i32
      %cond3A_80 = arith.constant 0 : i32
      %cond3A_81 = arith.cmpi ne, %convert_element_type3A_79, %cond3A_80 : i32
      scf.if %cond3A_81 {
        %add3A_96 = arith.constant 3 : i32
        %add3A_97 = arith.addi %mul3A_58, %add3A_96 : i32
        %mul3A_98 = arith.constant 80 : i32
        %mul3A_99 = arith.muli %add3A_97, %mul3A_98 : i32
        %add3A_100 = arith.addi %mul3A_6, %mul3A_99 : i32
        %multiple_of3A_101 = tpu.assume_multiple %add3A_100, 8 : i32
        %dma_start3A_102 = tpu.memref_slice %arg4[%multiple_of3A_101] : memref<320000xi32, #tpu.memory_space<hbm>> -> memref<80xi32, #tpu.memory_space<hbm>>
        %dma_start3A_103 = tpu.memref_slice %arg4[%multiple_of3A_101] : memref<320000xi32, #tpu.memory_space<hbm>> -> memref<80xi32, #tpu.memory_space<hbm>>
        tpu.enqueue_dma source(%dma_start3A_103 : memref<80xi32, #tpu.memory_space<hbm>>) target(%arg11 : memref<80xi32, #tpu.memory_space<vmem>>) target_semaphore(%arg23 : memref<!tpu.dma_semaphore, #tpu.memory_space<semaphore_mem>>)
        %mul3A_104 = arith.constant 80 : i32
        %mul3A_105 = arith.muli %add3A_97, %mul3A_104 : i32
        %add3A_106 = arith.addi %mul3A_6, %mul3A_105 : i32
        %multiple_of3A_107 = tpu.assume_multiple %add3A_106, 8 : i32
        %dma_start3A_108 = tpu.memref_slice %arg3[%multiple_of3A_107] : memref<320000xi32, #tpu.memory_space<hbm>> -> memref<80xi32, #tpu.memory_space<hbm>>
        %dma_start3A_109 = tpu.memref_slice %arg3[%multiple_of3A_107] : memref<320000xi32, #tpu.memory_space<hbm>> -> memref<80xi32, #tpu.memory_space<hbm>>
        tpu.enqueue_dma source(%dma_start3A_109 : memref<80xi32, #tpu.memory_space<hbm>>) target(%arg14 : memref<80xi32, #tpu.memory_space<vmem>>) target_semaphore(%arg23 : memref<!tpu.dma_semaphore, #tpu.memory_space<semaphore_mem>>)
      } else {
      }
      %add3A_82 = arith.constant 1 : i32
      %add3A_83 = arith.addi %mul3A_58, %add3A_82 : i32
      %lt3A_84 = arith.constant 125 : i32
      %lt3A_85 = arith.cmpi slt, %add3A_83, %lt3A_84 : i32
      %convert_element_type3A_86 = arith.extui %lt3A_85 : i1 to i32
      %cond3A_87 = arith.constant 0 : i32
      %cond3A_88 = arith.cmpi ne, %convert_element_type3A_86, %cond3A_87 : i32
      scf.if %cond3A_88 {
        %add3A_96 = arith.constant 1 : i32
        %add3A_97 = arith.addi %mul3A_58, %add3A_96 : i32
        %dma_wait3A_98 = arith.constant 0 : i32
        %dma_wait3A_99 = arith.constant 0 : i32
        %dma_wait3A_100 = tpu.memref_slice %arg2[%dma_wait3A_98, %dma_wait3A_99] : memref<10000x128xf32, #tpu.memory_space<hbm>> -> memref<10000x128xf32, #tpu.memory_space<hbm>>
        tpu.wait_indirect_dma semaphore(%arg21 : memref<!tpu.dma_semaphore, #tpu.memory_space<semaphore_mem>>) src(%dma_wait3A_100 : memref<10000x128xf32, #tpu.memory_space<hbm>>) dst(%arg18 : memref<80x128xf32, #tpu.memory_space<vmem>>)
        %add3A_101 = arith.constant 2 : i32
        %add3A_102 = arith.addi %add3A_97, %add3A_101 : i32
        %lt3A_103 = arith.constant 125 : i32
        %lt3A_104 = arith.cmpi slt, %add3A_102, %lt3A_103 : i32
        %convert_element_type3A_105 = arith.extui %lt3A_104 : i1 to i32
        %cond3A_106 = arith.constant 0 : i32
        %cond3A_107 = arith.cmpi ne, %convert_element_type3A_105, %cond3A_106 : i32
        scf.if %cond3A_107 {
          %add3A_125 = arith.constant 2 : i32
          %add3A_126 = arith.addi %add3A_97, %add3A_125 : i32
          %mul3A_127 = arith.constant 80 : i32
          %mul3A_128 = arith.muli %add3A_126, %mul3A_127 : i32
          %add3A_129 = arith.addi %mul3A_6, %mul3A_128 : i32
          %multiple_of3A_130 = tpu.assume_multiple %add3A_129, 8 : i32
          %dma_wait3A_131 = tpu.memref_slice %arg4[%multiple_of3A_130] : memref<320000xi32, #tpu.memory_space<hbm>> -> memref<80xi32, #tpu.memory_space<hbm>>
          %dma_wait3A_132 = tpu.memref_slice %arg4[%multiple_of3A_130] : memref<320000xi32, #tpu.memory_space<hbm>> -> memref<80xi32, #tpu.memory_space<hbm>>
          tpu.wait_dma2 semaphore(%arg23 : memref<!tpu.dma_semaphore, #tpu.memory_space<semaphore_mem>>) src(%dma_wait3A_132 : memref<80xi32, #tpu.memory_space<hbm>>) dst(%arg11 : memref<80xi32, #tpu.memory_space<vmem>>)
          %mul3A_133 = arith.constant 80 : i32
          %mul3A_134 = arith.muli %add3A_126, %mul3A_133 : i32
          %add3A_135 = arith.addi %mul3A_6, %mul3A_134 : i32
          %multiple_of3A_136 = tpu.assume_multiple %add3A_135, 8 : i32
          %dma_wait3A_137 = tpu.memref_slice %arg3[%multiple_of3A_136] : memref<320000xi32, #tpu.memory_space<hbm>> -> memref<80xi32, #tpu.memory_space<hbm>>
          %dma_wait3A_138 = tpu.memref_slice %arg3[%multiple_of3A_136] : memref<320000xi32, #tpu.memory_space<hbm>> -> memref<80xi32, #tpu.memory_space<hbm>>
          tpu.wait_dma2 semaphore(%arg23 : memref<!tpu.dma_semaphore, #tpu.memory_space<semaphore_mem>>) src(%dma_wait3A_138 : memref<80xi32, #tpu.memory_space<hbm>>) dst(%arg14 : memref<80xi32, #tpu.memory_space<vmem>>)
          %dma_start3A_139 = arith.constant 0 : i32
          %dma_start3A_140 = arith.constant 0 : i32
          %dma_start3A_141 = tpu.memref_slice %arg2[%dma_start3A_139, %dma_start3A_140] : memref<10000x128xf32, #tpu.memory_space<hbm>> -> memref<10000x128xf32, #tpu.memory_space<hbm>>
          tpu.enqueue_indirect_dma source(%dma_start3A_141 : memref<10000x128xf32, #tpu.memory_space<hbm>>) target(%arg17 : memref<80x128xf32, #tpu.memory_space<vmem>>) offsets(%arg11 : memref<80xi32, #tpu.memory_space<vmem>>) semaphore(%arg20 : memref<!tpu.dma_semaphore, #tpu.memory_space<semaphore_mem>>)
        } else {
        }
        "tpu.region"() ({
          %run_scoped3A = tpu.sem_alloc : memref<!tpu.dma_semaphore, #tpu.memory_space<semaphore_mem>>
          %dma_start3A_125 = arith.constant 0 : i32
          %dma_start3A_126 = arith.constant 0 : i32
          %dma_start3A_127 = tpu.memref_slice %arg9[%dma_start3A_125, %dma_start3A_126] : memref<10000x128xf32, #tpu.memory_space<vmem_shared>> -> memref<10000x128xf32, #tpu.memory_space<vmem_shared>>
          tpu.enqueue_indirect_dma source(%arg18 : memref<80x128xf32, #tpu.memory_space<vmem>>) target(%dma_start3A_127 : memref<10000x128xf32, #tpu.memory_space<vmem_shared>>) offsets(%arg15 : memref<80xi32, #tpu.memory_space<vmem>>) semaphore(%run_scoped3A : memref<!tpu.dma_semaphore, #tpu.memory_space<semaphore_mem>>) {add = true}
          %dma_wait3A_128 = arith.constant 0 : i32
          %dma_wait3A_129 = arith.constant 0 : i32
          %dma_wait3A_130 = tpu.memref_slice %arg9[%dma_wait3A_128, %dma_wait3A_129] : memref<10000x128xf32, #tpu.memory_space<vmem_shared>> -> memref<10000x128xf32, #tpu.memory_space<vmem_shared>>
          tpu.wait_indirect_dma semaphore(%run_scoped3A : memref<!tpu.dma_semaphore, #tpu.memory_space<semaphore_mem>>) src(%arg18 : memref<80x128xf32, #tpu.memory_space<vmem>>) dst(%dma_wait3A_130 : memref<10000x128xf32, #tpu.memory_space<vmem_shared>>)
          tpu.yield
        }) : () -> ()
        %get3A_108 = arith.constant 0 : index
        %get3A_109 = tpu.vector_load %arg15[%get3A_108] {strides = array<i32>} : memref<80xi32, #tpu.memory_space<vmem>>, vector<16xi32>,
        tpu.vector_store_idx %arg10[%get3A_109], %broadcast_in_dim3A_4 {add = true} : memref<10240xf32, #tpu.memory_space<vmem>>[vector<16xi32>], vector<16xf32>,
        %get3A_110 = arith.constant 16 : index
        %get3A_111 = tpu.vector_load %arg15[%get3A_110] {strides = array<i32>} : memref<80xi32, #tpu.memory_space<vmem>>, vector<16xi32>,
        tpu.vector_store_idx %arg10[%get3A_111], %broadcast_in_dim3A_4 {add = true} : memref<10240xf32, #tpu.memory_space<vmem>>[vector<16xi32>], vector<16xf32>,
        %get3A_112 = arith.constant 32 : index
        %get3A_113 = tpu.vector_load %arg15[%get3A_112] {strides = array<i32>} : memref<80xi32, #tpu.memory_space<vmem>>, vector<16xi32>,
        tpu.vector_store_idx %arg10[%get3A_113], %broadcast_in_dim3A_4 {add = true} : memref<10240xf32, #tpu.memory_space<vmem>>[vector<16xi32>], vector<16xf32>,
        %get3A_114 = arith.constant 48 : index
        %get3A_115 = tpu.vector_load %arg15[%get3A_114] {strides = array<i32>} : memref<80xi32, #tpu.memory_space<vmem>>, vector<16xi32>,
        tpu.vector_store_idx %arg10[%get3A_115], %broadcast_in_dim3A_4 {add = true} : memref<10240xf32, #tpu.memory_space<vmem>>[vector<16xi32>], vector<16xf32>,
        %get3A_116 = arith.constant 64 : index
        %get3A_117 = tpu.vector_load %arg15[%get3A_116] {strides = array<i32>} : memref<80xi32, #tpu.memory_space<vmem>>, vector<16xi32>,
        tpu.vector_store_idx %arg10[%get3A_117], %broadcast_in_dim3A_4 {add = true} : memref<10240xf32, #tpu.memory_space<vmem>>[vector<16xi32>], vector<16xf32>,
        %add3A_118 = arith.constant 3 : i32
        %add3A_119 = arith.addi %add3A_97, %add3A_118 : i32
        %lt3A_120 = arith.constant 125 : i32
        %lt3A_121 = arith.cmpi slt, %add3A_119, %lt3A_120 : i32
        %convert_element_type3A_122 = arith.extui %lt3A_121 : i1 to i32
        %cond3A_123 = arith.constant 0 : i32
        %cond3A_124 = arith.cmpi ne, %convert_element_type3A_122, %cond3A_123 : i32
        scf.if %cond3A_124 {
          %add3A_125 = arith.constant 3 : i32
          %add3A_126 = arith.addi %add3A_97, %add3A_125 : i32
          %mul3A_127 = arith.constant 80 : i32
          %mul3A_128 = arith.muli %add3A_126, %mul3A_127 : i32
          %add3A_129 = arith.addi %mul3A_6, %mul3A_128 : i32
          %multiple_of3A_130 = tpu.assume_multiple %add3A_129, 8 : i32
          %dma_start3A_131 = tpu.memref_slice %arg4[%multiple_of3A_130] : memref<320000xi32, #tpu.memory_space<hbm>> -> memref<80xi32, #tpu.memory_space<hbm>>
          %dma_start3A_132 = tpu.memref_slice %arg4[%multiple_of3A_130] : memref<320000xi32, #tpu.memory_space<hbm>> -> memref<80xi32, #tpu.memory_space<hbm>>
          tpu.enqueue_dma source(%dma_start3A_132 : memref<80xi32, #tpu.memory_space<hbm>>) target(%arg12 : memref<80xi32, #tpu.memory_space<vmem>>) target_semaphore(%arg24 : memref<!tpu.dma_semaphore, #tpu.memory_space<semaphore_mem>>)
          %mul3A_133 = arith.constant 80 : i32
          %mul3A_134 = arith.muli %add3A_126, %mul3A_133 : i32
          %add3A_135 = arith.addi %mul3A_6, %mul3A_134 : i32
          %multiple_of3A_136 = tpu.assume_multiple %add3A_135, 8 : i32
          %dma_start3A_137 = tpu.memref_slice %arg3[%multiple_of3A_136] : memref<320000xi32, #tpu.memory_space<hbm>> -> memref<80xi32, #tpu.memory_space<hbm>>
          %dma_start3A_138 = tpu.memref_slice %arg3[%multiple_of3A_136] : memref<320000xi32, #tpu.memory_space<hbm>> -> memref<80xi32, #tpu.memory_space<hbm>>
          tpu.enqueue_dma source(%dma_start3A_138 : memref<80xi32, #tpu.memory_space<hbm>>) target(%arg15 : memref<80xi32, #tpu.memory_space<vmem>>) target_semaphore(%arg24 : memref<!tpu.dma_semaphore, #tpu.memory_space<semaphore_mem>>)
        } else {
        }
      } else {
      }
      %add3A_89 = arith.constant 2 : i32
      %add3A_90 = arith.addi %mul3A_58, %add3A_89 : i32
      %lt3A_91 = arith.constant 125 : i32
      %lt3A_92 = arith.cmpi slt, %add3A_90, %lt3A_91 : i32
      %convert_element_type3A_93 = arith.extui %lt3A_92 : i1 to i32
      %cond3A_94 = arith.constant 0 : i32
      %cond3A_95 = arith.cmpi ne, %convert_element_type3A_93, %cond3A_94 : i32
      scf.if %cond3A_95 {
        %add3A_96 = arith.constant 2 : i32
        %add3A_97 = arith.addi %mul3A_58, %add3A_96 : i32
        %dma_wait3A_98 = arith.constant 0 : i32
        %dma_wait3A_99 = arith.constant 0 : i32
        %dma_wait3A_100 = tpu.memref_slice %arg2[%dma_wait3A_98, %dma_wait3A_99] : memref<10000x128xf32, #tpu.memory_space<hbm>> -> memref<10000x128xf32, #tpu.memory_space<hbm>>
        tpu.wait_indirect_dma semaphore(%arg22 : memref<!tpu.dma_semaphore, #tpu.memory_space<semaphore_mem>>) src(%dma_wait3A_100 : memref<10000x128xf32, #tpu.memory_space<hbm>>) dst(%arg19 : memref<80x128xf32, #tpu.memory_space<vmem>>)
        %add3A_101 = arith.constant 2 : i32
        %add3A_102 = arith.addi %add3A_97, %add3A_101 : i32
        %lt3A_103 = arith.constant 125 : i32
        %lt3A_104 = arith.cmpi slt, %add3A_102, %lt3A_103 : i32
        %convert_element_type3A_105 = arith.extui %lt3A_104 : i1 to i32
        %cond3A_106 = arith.constant 0 : i32
        %cond3A_107 = arith.cmpi ne, %convert_element_type3A_105, %cond3A_106 : i32
        scf.if %cond3A_107 {
          %add3A_125 = arith.constant 2 : i32
          %add3A_126 = arith.addi %add3A_97, %add3A_125 : i32
          %mul3A_127 = arith.constant 80 : i32
          %mul3A_128 = arith.muli %add3A_126, %mul3A_127 : i32
          %add3A_129 = arith.addi %mul3A_6, %mul3A_128 : i32
          %multiple_of3A_130 = tpu.assume_multiple %add3A_129, 8 : i32
          %dma_wait3A_131 = tpu.memref_slice %arg4[%multiple_of3A_130] : memref<320000xi32, #tpu.memory_space<hbm>> -> memref<80xi32, #tpu.memory_space<hbm>>
          %dma_wait3A_132 = tpu.memref_slice %arg4[%multiple_of3A_130] : memref<320000xi32, #tpu.memory_space<hbm>> -> memref<80xi32, #tpu.memory_space<hbm>>
          tpu.wait_dma2 semaphore(%arg24 : memref<!tpu.dma_semaphore, #tpu.memory_space<semaphore_mem>>) src(%dma_wait3A_132 : memref<80xi32, #tpu.memory_space<hbm>>) dst(%arg12 : memref<80xi32, #tpu.memory_space<vmem>>)
          %mul3A_133 = arith.constant 80 : i32
          %mul3A_134 = arith.muli %add3A_126, %mul3A_133 : i32
          %add3A_135 = arith.addi %mul3A_6, %mul3A_134 : i32
          %multiple_of3A_136 = tpu.assume_multiple %add3A_135, 8 : i32
          %dma_wait3A_137 = tpu.memref_slice %arg3[%multiple_of3A_136] : memref<320000xi32, #tpu.memory_space<hbm>> -> memref<80xi32, #tpu.memory_space<hbm>>
          %dma_wait3A_138 = tpu.memref_slice %arg3[%multiple_of3A_136] : memref<320000xi32, #tpu.memory_space<hbm>> -> memref<80xi32, #tpu.memory_space<hbm>>
          tpu.wait_dma2 semaphore(%arg24 : memref<!tpu.dma_semaphore, #tpu.memory_space<semaphore_mem>>) src(%dma_wait3A_138 : memref<80xi32, #tpu.memory_space<hbm>>) dst(%arg15 : memref<80xi32, #tpu.memory_space<vmem>>)
          %dma_start3A_139 = arith.constant 0 : i32
          %dma_start3A_140 = arith.constant 0 : i32
          %dma_start3A_141 = tpu.memref_slice %arg2[%dma_start3A_139, %dma_start3A_140] : memref<10000x128xf32, #tpu.memory_space<hbm>> -> memref<10000x128xf32, #tpu.memory_space<hbm>>
          tpu.enqueue_indirect_dma source(%dma_start3A_141 : memref<10000x128xf32, #tpu.memory_space<hbm>>) target(%arg18 : memref<80x128xf32, #tpu.memory_space<vmem>>) offsets(%arg12 : memref<80xi32, #tpu.memory_space<vmem>>) semaphore(%arg21 : memref<!tpu.dma_semaphore, #tpu.memory_space<semaphore_mem>>)
        } else {
        }
        "tpu.region"() ({
          %run_scoped3A = tpu.sem_alloc : memref<!tpu.dma_semaphore, #tpu.memory_space<semaphore_mem>>
          %dma_start3A_125 = arith.constant 0 : i32
          %dma_start3A_126 = arith.constant 0 : i32
          %dma_start3A_127 = tpu.memref_slice %arg9[%dma_start3A_125, %dma_start3A_126] : memref<10000x128xf32, #tpu.memory_space<vmem_shared>> -> memref<10000x128xf32, #tpu.memory_space<vmem_shared>>
          tpu.enqueue_indirect_dma source(%arg19 : memref<80x128xf32, #tpu.memory_space<vmem>>) target(%dma_start3A_127 : memref<10000x128xf32, #tpu.memory_space<vmem_shared>>) offsets(%arg16 : memref<80xi32, #tpu.memory_space<vmem>>) semaphore(%run_scoped3A : memref<!tpu.dma_semaphore, #tpu.memory_space<semaphore_mem>>) {add = true}
          %dma_wait3A_128 = arith.constant 0 : i32
          %dma_wait3A_129 = arith.constant 0 : i32
          %dma_wait3A_130 = tpu.memref_slice %arg9[%dma_wait3A_128, %dma_wait3A_129] : memref<10000x128xf32, #tpu.memory_space<vmem_shared>> -> memref<10000x128xf32, #tpu.memory_space<vmem_shared>>
          tpu.wait_indirect_dma semaphore(%run_scoped3A : memref<!tpu.dma_semaphore, #tpu.memory_space<semaphore_mem>>) src(%arg19 : memref<80x128xf32, #tpu.memory_space<vmem>>) dst(%dma_wait3A_130 : memref<10000x128xf32, #tpu.memory_space<vmem_shared>>)
          tpu.yield
        }) : () -> ()
        %get3A_108 = arith.constant 0 : index
        %get3A_109 = tpu.vector_load %arg16[%get3A_108] {strides = array<i32>} : memref<80xi32, #tpu.memory_space<vmem>>, vector<16xi32>,
        tpu.vector_store_idx %arg10[%get3A_109], %broadcast_in_dim3A_4 {add = true} : memref<10240xf32, #tpu.memory_space<vmem>>[vector<16xi32>], vector<16xf32>,
        %get3A_110 = arith.constant 16 : index
        %get3A_111 = tpu.vector_load %arg16[%get3A_110] {strides = array<i32>} : memref<80xi32, #tpu.memory_space<vmem>>, vector<16xi32>,
        tpu.vector_store_idx %arg10[%get3A_111], %broadcast_in_dim3A_4 {add = true} : memref<10240xf32, #tpu.memory_space<vmem>>[vector<16xi32>], vector<16xf32>,
        %get3A_112 = arith.constant 32 : index
        %get3A_113 = tpu.vector_load %arg16[%get3A_112] {strides = array<i32>} : memref<80xi32, #tpu.memory_space<vmem>>, vector<16xi32>,
        tpu.vector_store_idx %arg10[%get3A_113], %broadcast_in_dim3A_4 {add = true} : memref<10240xf32, #tpu.memory_space<vmem>>[vector<16xi32>], vector<16xf32>,
        %get3A_114 = arith.constant 48 : index
        %get3A_115 = tpu.vector_load %arg16[%get3A_114] {strides = array<i32>} : memref<80xi32, #tpu.memory_space<vmem>>, vector<16xi32>,
        tpu.vector_store_idx %arg10[%get3A_115], %broadcast_in_dim3A_4 {add = true} : memref<10240xf32, #tpu.memory_space<vmem>>[vector<16xi32>], vector<16xf32>,
        %get3A_116 = arith.constant 64 : index
        %get3A_117 = tpu.vector_load %arg16[%get3A_116] {strides = array<i32>} : memref<80xi32, #tpu.memory_space<vmem>>, vector<16xi32>,
        tpu.vector_store_idx %arg10[%get3A_117], %broadcast_in_dim3A_4 {add = true} : memref<10240xf32, #tpu.memory_space<vmem>>[vector<16xi32>], vector<16xf32>,
        %add3A_118 = arith.constant 3 : i32
        %add3A_119 = arith.addi %add3A_97, %add3A_118 : i32
        %lt3A_120 = arith.constant 125 : i32
        %lt3A_121 = arith.cmpi slt, %add3A_119, %lt3A_120 : i32
        %convert_element_type3A_122 = arith.extui %lt3A_121 : i1 to i32
        %cond3A_123 = arith.constant 0 : i32
        %cond3A_124 = arith.cmpi ne, %convert_element_type3A_122, %cond3A_123 : i32
        scf.if %cond3A_124 {
          %add3A_125 = arith.constant 3 : i32
          %add3A_126 = arith.addi %add3A_97, %add3A_125 : i32
          %mul3A_127 = arith.constant 80 : i32
          %mul3A_128 = arith.muli %add3A_126, %mul3A_127 : i32
          %add3A_129 = arith.addi %mul3A_6, %mul3A_128 : i32
          %multiple_of3A_130 = tpu.assume_multiple %add3A_129, 8 : i32
          %dma_start3A_131 = tpu.memref_slice %arg4[%multiple_of3A_130] : memref<320000xi32, #tpu.memory_space<hbm>> -> memref<80xi32, #tpu.memory_space<hbm>>
          %dma_start3A_132 = tpu.memref_slice %arg4[%multiple_of3A_130] : memref<320000xi32, #tpu.memory_space<hbm>> -> memref<80xi32, #tpu.memory_space<hbm>>
          tpu.enqueue_dma source(%dma_start3A_132 : memref<80xi32, #tpu.memory_space<hbm>>) target(%arg13 : memref<80xi32, #tpu.memory_space<vmem>>) target_semaphore(%arg25 : memref<!tpu.dma_semaphore, #tpu.memory_space<semaphore_mem>>)
          %mul3A_133 = arith.constant 80 : i32
          %mul3A_134 = arith.muli %add3A_126, %mul3A_133 : i32
          %add3A_135 = arith.addi %mul3A_6, %mul3A_134 : i32
          %multiple_of3A_136 = tpu.assume_multiple %add3A_135, 8 : i32
          %dma_start3A_137 = tpu.memref_slice %arg3[%multiple_of3A_136] : memref<320000xi32, #tpu.memory_space<hbm>> -> memref<80xi32, #tpu.memory_space<hbm>>
          %dma_start3A_138 = tpu.memref_slice %arg3[%multiple_of3A_136] : memref<320000xi32, #tpu.memory_space<hbm>> -> memref<80xi32, #tpu.memory_space<hbm>>
          tpu.enqueue_dma source(%dma_start3A_138 : memref<80xi32, #tpu.memory_space<hbm>>) target(%arg16 : memref<80xi32, #tpu.memory_space<vmem>>) target_semaphore(%arg25 : memref<!tpu.dma_semaphore, #tpu.memory_space<semaphore_mem>>)
        } else {
        }
      } else {
      }
    }
    %scan3A_50 = arith.constant 42 : i32
    %barrier3A_51 = arith.constant 0 : index
    tpu.barrier barrier_id(%barrier3A_51)
    "tpu.region"() ({
      %run_scoped3A = tpu.sem_alloc : memref<!tpu.dma_semaphore, #tpu.memory_space<semaphore_mem>>
      %dma_start3A_52 = arith.constant 0 : i32
      %dma_start3A_53 = tpu.memref_slice %arg7[%arg0, %multiple_of3A, %dma_start3A_52] : memref<2x10000x128xf32, #tpu.memory_space<hbm>> -> memref<1x632x128xf32, #tpu.memory_space<hbm>>
      %dma_start3A_54 = tpu.memref_squeeze %dma_start3A_53 : memref<1x632x128xf32, #tpu.memory_space<hbm>> -> memref<632x128xf32, #tpu.memory_space<hbm>>
      %dma_start3A_55 = arith.constant 0 : i32
      %dma_start3A_56 = tpu.memref_slice %arg9[%multiple_of3A, %dma_start3A_55] : memref<10000x128xf32, #tpu.memory_space<vmem_shared>> -> memref<632x128xf32, #tpu.memory_space<vmem_shared>>
      tpu.enqueue_dma source(%dma_start3A_56 : memref<632x128xf32, #tpu.memory_space<vmem_shared>>) target(%dma_start3A_54 : memref<632x128xf32, #tpu.memory_space<hbm>>) target_semaphore(%run_scoped3A : memref<!tpu.dma_semaphore, #tpu.memory_space<semaphore_mem>>)
      %dma_wait3A_57 = arith.constant 0 : i32
      %dma_wait3A_58 = tpu.memref_slice %arg7[%arg0, %multiple_of3A, %dma_wait3A_57] : memref<2x10000x128xf32, #tpu.memory_space<hbm>> -> memref<1x632x128xf32, #tpu.memory_space<hbm>>
      %dma_wait3A_59 = tpu.memref_squeeze %dma_wait3A_58 : memref<1x632x128xf32, #tpu.memory_space<hbm>> -> memref<632x128xf32, #tpu.memory_space<hbm>>
      %dma_wait3A_60 = arith.constant 0 : i32
      %dma_wait3A_61 = tpu.memref_slice %arg9[%multiple_of3A, %dma_wait3A_60] : memref<10000x128xf32, #tpu.memory_space<vmem_shared>> -> memref<632x128xf32, #tpu.memory_space<vmem_shared>>
      tpu.wait_dma2 semaphore(%run_scoped3A : memref<!tpu.dma_semaphore, #tpu.memory_space<semaphore_mem>>) src(%dma_wait3A_61 : memref<632x128xf32, #tpu.memory_space<vmem_shared>>) dst(%dma_wait3A_59 : memref<632x128xf32, #tpu.memory_space<hbm>>)
      tpu.yield
    }) : () -> ()
    "tpu.region"() ({
      %run_scoped3A = tpu.sem_alloc : memref<!tpu.dma_semaphore, #tpu.memory_space<semaphore_mem>>
      %dma_start3A_52 = arith.constant 0 : i32
      %dma_start3A_53 = tpu.memref_slice %arg8[%add3A, %dma_start3A_52] : memref<32x10240xf32, #tpu.memory_space<hbm>> -> memref<1x10240xf32, #tpu.memory_space<hbm>>
      %dma_start3A_54 = tpu.memref_squeeze %dma_start3A_53 : memref<1x10240xf32, #tpu.memory_space<hbm>> -> memref<10240xf32, #tpu.memory_space<hbm>>
      %dma_start3A_55 = arith.constant 0 : i32
      %dma_start3A_56 = tpu.memref_slice %arg8[%add3A, %dma_start3A_55] : memref<32x10240xf32, #tpu.memory_space<hbm>> -> memref<1x10240xf32, #tpu.memory_space<hbm>>
      %dma_start3A_57 = tpu.memref_squeeze %dma_start3A_56 : memref<1x10240xf32, #tpu.memory_space<hbm>> -> memref<10240xf32, #tpu.memory_space<hbm>>
      tpu.enqueue_dma source(%arg10 : memref<10240xf32, #tpu.memory_space<vmem>>) target(%dma_start3A_57 : memref<10240xf32, #tpu.memory_space<hbm>>) target_semaphore(%run_scoped3A : memref<!tpu.dma_semaphore, #tpu.memory_space<semaphore_mem>>)
      %dma_wait3A_58 = arith.constant 0 : i32
      %dma_wait3A_59 = tpu.memref_slice %arg8[%add3A, %dma_wait3A_58] : memref<32x10240xf32, #tpu.memory_space<hbm>> -> memref<1x10240xf32, #tpu.memory_space<hbm>>
      %dma_wait3A_60 = tpu.memref_squeeze %dma_wait3A_59 : memref<1x10240xf32, #tpu.memory_space<hbm>> -> memref<10240xf32, #tpu.memory_space<hbm>>
      %dma_wait3A_61 = arith.constant 0 : i32
      %dma_wait3A_62 = tpu.memref_slice %arg8[%add3A, %dma_wait3A_61] : memref<32x10240xf32, #tpu.memory_space<hbm>> -> memref<1x10240xf32, #tpu.memory_space<hbm>>
      %dma_wait3A_63 = tpu.memref_squeeze %dma_wait3A_62 : memref<1x10240xf32, #tpu.memory_space<hbm>> -> memref<10240xf32, #tpu.memory_space<hbm>>
      tpu.wait_dma2 semaphore(%run_scoped3A : memref<!tpu.dma_semaphore, #tpu.memory_space<semaphore_mem>>) src(%arg10 : memref<10240xf32, #tpu.memory_space<vmem>>) dst(%dma_wait3A_63 : memref<10240xf32, #tpu.memory_space<hbm>>)
      tpu.yield
    }) : () -> ()
    return
  }
}

#map = affine_map<(d0, d1) -> (0, 0)>
#map1 = affine_map<(d0, d1) -> (0)>
#map2 = affine_map<(d0, d1) -> (0, 0, 0)>
module attributes {stable_mosaic.version = 14 : i64} {
  func.func @_sc_phase_a(%arg0: i32, %arg1: i32, %arg2: memref<10000x128xf32, #tpu.memory_space<hbm>>, %arg3: memref<320000xi32, #tpu.memory_space<hbm>>, %arg4: memref<320000xi32, #tpu.memory_space<hbm>>, %arg5: memref<10000x128xf32, #tpu.memory_space<hbm>>, %arg6: memref<10240xf32, #tpu.memory_space<hbm>>, %arg7: memref<2x10000x128xf32, #tpu.memory_space<hbm>>, %arg8: memref<32x10240xf32, #tpu.memory_space<hbm>>, %arg9: memref<10000x128xf32, #tpu.memory_space<vmem_shared>>, %arg10: memref<10240xf32, #tpu.memory_space<vmem>>, %arg11: memref<80xi32, #tpu.memory_space<vmem>>, %arg12: memref<80xi32, #tpu.memory_space<vmem>>, %arg13: memref<80xi32, #tpu.memory_space<vmem>>, %arg14: memref<80xi32, #tpu.memory_space<vmem>>, %arg15: memref<80xi32, #tpu.memory_space<vmem>>, %arg16: memref<80xi32, #tpu.memory_space<vmem>>, %arg17: memref<80x128xf32, #tpu.memory_space<vmem>>, %arg18: memref<80x128xf32, #tpu.memory_space<vmem>>, %arg19: memref<80x128xf32, #tpu.memory_space<vmem>>, %arg20: memref<!tpu.dma_semaphore, #tpu.memory_space<semaphore_mem>>, %arg21: memref<!tpu.dma_semaphore, #tpu.memory_space<semaphore_mem>>, %arg22: memref<!tpu.dma_semaphore, #tpu.memory_space<semaphore_mem>>, %arg23: memref<!tpu.dma_semaphore, #tpu.memory_space<semaphore_mem>>, %arg24: memref<!tpu.dma_semaphore, #tpu.memory_space<semaphore_mem>>, %arg25: memref<!tpu.dma_semaphore, #tpu.memory_space<semaphore_mem>>) attributes {dimension_semantics = [#tpu.dimension_semantics<core_parallel>, #tpu.dimension_semantics<subcore_parallel>], iteration_bounds = array<i64: 2, 16>, scalar_prefetch = 0 : i64, scratch_operands = 17 : i64, tpu.core_type = #tpu.core_type<sc_vector_subcore>, window_params = [{transform_indices = #map}, {transform_indices = #map1}, {transform_indices = #map1}, {transform_indices = #map}, {transform_indices = #map1}, {transform_indices = #map2}, {transform_indices = #map}]} {
    %mul3A = arith.constant 16 : i32
    %mul3A_0 = arith.muli %arg0, %mul3A : i32
    %add3A = arith.addi %mul3A_0, %arg1 : i32
    %mul3A_1 = arith.constant 632 : i32
    %mul3A_2 = arith.muli %arg1, %mul3A_1 : i32
    %min3A = arith.constant 9368 : i32
    %min3A_3 = arith.minsi %mul3A_2, %min3A : i32
    %multiple_of3A = tpu.assume_multiple %min3A_3, 8 : i32
    "tpu.region"() ({
      %run_scoped3A = tpu.sem_alloc : memref<!tpu.dma_semaphore, #tpu.memory_space<semaphore_mem>>
      %dma_start3A_52 = arith.constant 0 : i32
      %dma_start3A_53 = tpu.memref_slice %arg9[%multiple_of3A, %dma_start3A_52] : memref<10000x128xf32, #tpu.memory_space<vmem_shared>> -> memref<632x128xf32, #tpu.memory_space<vmem_shared>>
      %dma_start3A_54 = arith.constant 0 : i32
      %dma_start3A_55 = tpu.memref_slice %arg5[%multiple_of3A, %dma_start3A_54] : memref<10000x128xf32, #tpu.memory_space<hbm>> -> memref<632x128xf32, #tpu.memory_space<hbm>>
      tpu.enqueue_dma source(%dma_start3A_55 : memref<632x128xf32, #tpu.memory_space<hbm>>) target(%dma_start3A_53 : memref<632x128xf32, #tpu.memory_space<vmem_shared>>) target_semaphore(%run_scoped3A : memref<!tpu.dma_semaphore, #tpu.memory_space<semaphore_mem>>)
      %dma_wait3A_56 = arith.constant 0 : i32
      %dma_wait3A_57 = tpu.memref_slice %arg9[%multiple_of3A, %dma_wait3A_56] : memref<10000x128xf32, #tpu.memory_space<vmem_shared>> -> memref<632x128xf32, #tpu.memory_space<vmem_shared>>
      %dma_wait3A_58 = arith.constant 0 : i32
      %dma_wait3A_59 = tpu.memref_slice %arg5[%multiple_of3A, %dma_wait3A_58] : memref<10000x128xf32, #tpu.memory_space<hbm>> -> memref<632x128xf32, #tpu.memory_space<hbm>>
      tpu.wait_dma2 semaphore(%run_scoped3A : memref<!tpu.dma_semaphore, #tpu.memory_space<semaphore_mem>>) src(%dma_wait3A_59 : memref<632x128xf32, #tpu.memory_space<hbm>>) dst(%dma_wait3A_57 : memref<632x128xf32, #tpu.memory_space<vmem_shared>>)
      tpu.yield
    }) : () -> ()
    "tpu.region"() ({
      %run_scoped3A = tpu.sem_alloc : memref<!tpu.dma_semaphore, #tpu.memory_space<semaphore_mem>>
      tpu.enqueue_dma source(%arg6 : memref<10240xf32, #tpu.memory_space<hbm>>) target(%arg10 : memref<10240xf32, #tpu.memory_space<vmem>>) target_semaphore(%run_scoped3A : memref<!tpu.dma_semaphore, #tpu.memory_space<semaphore_mem>>)
      tpu.wait_dma2 semaphore(%run_scoped3A : memref<!tpu.dma_semaphore, #tpu.memory_space<semaphore_mem>>) src(%arg6 : memref<10240xf32, #tpu.memory_space<hbm>>) dst(%arg10 : memref<10240xf32, #tpu.memory_space<vmem>>)
      tpu.yield
    }) : () -> ()
    %barrier3A = arith.constant 0 : index
    tpu.barrier barrier_id(%barrier3A)
    %broadcast_in_dim3A = arith.constant 1.000000e+00 : f32
    %broadcast_in_dim3A_4 = vector.broadcast %broadcast_in_dim3A : f32 to vector<16xf32>
    %mul3A_5 = arith.constant 10000 : i32
    %mul3A_6 = arith.muli %add3A, %mul3A_5 : i32
    %add3A_7 = arith.constant 0 : i32
    %add3A_8 = arith.addi %mul3A_6, %add3A_7 : i32
    %multiple_of3A_9 = tpu.assume_multiple %add3A_8, 8 : i32
    "tpu.region"() ({
      %run_scoped3A = tpu.sem_alloc : memref<!tpu.dma_semaphore, #tpu.memory_space<semaphore_mem>>
      %dma_start3A_52 = tpu.memref_slice %arg3[%multiple_of3A_9] : memref<320000xi32, #tpu.memory_space<hbm>> -> memref<80xi32, #tpu.memory_space<hbm>>
      %dma_start3A_53 = tpu.memref_slice %arg3[%multiple_of3A_9] : memref<320000xi32, #tpu.memory_space<hbm>> -> memref<80xi32, #tpu.memory_space<hbm>>
      tpu.enqueue_dma source(%dma_start3A_53 : memref<80xi32, #tpu.memory_space<hbm>>) target(%arg11 : memref<80xi32, #tpu.memory_space<vmem>>) target_semaphore(%run_scoped3A : memref<!tpu.dma_semaphore, #tpu.memory_space<semaphore_mem>>)
      %dma_wait3A_54 = tpu.memref_slice %arg3[%multiple_of3A_9] : memref<320000xi32, #tpu.memory_space<hbm>> -> memref<80xi32, #tpu.memory_space<hbm>>
      %dma_wait3A_55 = tpu.memref_slice %arg3[%multiple_of3A_9] : memref<320000xi32, #tpu.memory_space<hbm>> -> memref<80xi32, #tpu.memory_space<hbm>>
      tpu.wait_dma2 semaphore(%run_scoped3A : memref<!tpu.dma_semaphore, #tpu.memory_space<semaphore_mem>>) src(%dma_wait3A_55 : memref<80xi32, #tpu.memory_space<hbm>>) dst(%arg11 : memref<80xi32, #tpu.memory_space<vmem>>)
      tpu.yield
    }) : () -> ()
    %add3A_10 = arith.constant 0 : i32
    %add3A_11 = arith.addi %mul3A_6, %add3A_10 : i32
    %multiple_of3A_12 = tpu.assume_multiple %add3A_11, 8 : i32
    "tpu.region"() ({
      %run_scoped3A = tpu.sem_alloc : memref<!tpu.dma_semaphore, #tpu.memory_space<semaphore_mem>>
      %dma_start3A_52 = tpu.memref_slice %arg4[%multiple_of3A_12] : memref<320000xi32, #tpu.memory_space<hbm>> -> memref<80xi32, #tpu.memory_space<hbm>>
      %dma_start3A_53 = tpu.memref_slice %arg4[%multiple_of3A_12] : memref<320000xi32, #tpu.memory_space<hbm>> -> memref<80xi32, #tpu.memory_space<hbm>>
      tpu.enqueue_dma source(%dma_start3A_53 : memref<80xi32, #tpu.memory_space<hbm>>) target(%arg14 : memref<80xi32, #tpu.memory_space<vmem>>) target_semaphore(%run_scoped3A : memref<!tpu.dma_semaphore, #tpu.memory_space<semaphore_mem>>)
      %dma_wait3A_54 = tpu.memref_slice %arg4[%multiple_of3A_12] : memref<320000xi32, #tpu.memory_space<hbm>> -> memref<80xi32, #tpu.memory_space<hbm>>
      %dma_wait3A_55 = tpu.memref_slice %arg4[%multiple_of3A_12] : memref<320000xi32, #tpu.memory_space<hbm>> -> memref<80xi32, #tpu.memory_space<hbm>>
      tpu.wait_dma2 semaphore(%run_scoped3A : memref<!tpu.dma_semaphore, #tpu.memory_space<semaphore_mem>>) src(%dma_wait3A_55 : memref<80xi32, #tpu.memory_space<hbm>>) dst(%arg14 : memref<80xi32, #tpu.memory_space<vmem>>)
      tpu.yield
    }) : () -> ()
    %dma_start3A = arith.constant 0 : i32
    %dma_start3A_13 = arith.constant 0 : i32
    %dma_start3A_14 = tpu.memref_slice %arg2[%dma_start3A, %dma_start3A_13] : memref<10000x128xf32, #tpu.memory_space<hbm>> -> memref<10000x128xf32, #tpu.memory_space<hbm>>
    tpu.enqueue_indirect_dma source(%dma_start3A_14 : memref<10000x128xf32, #tpu.memory_space<hbm>>) target(%arg17 : memref<80x128xf32, #tpu.memory_space<vmem>>) offsets(%arg11 : memref<80xi32, #tpu.memory_space<vmem>>) semaphore(%arg20 : memref<!tpu.dma_semaphore, #tpu.memory_space<semaphore_mem>>)
    %add3A_15 = arith.constant 80 : i32
    %add3A_16 = arith.addi %mul3A_6, %add3A_15 : i32
    %multiple_of3A_17 = tpu.assume_multiple %add3A_16, 8 : i32
    %dma_start3A_18 = tpu.memref_slice %arg3[%multiple_of3A_17] : memref<320000xi32, #tpu.memory_space<hbm>> -> memref<80xi32, #tpu.memory_space<hbm>>
    %dma_start3A_19 = tpu.memref_slice %arg3[%multiple_of3A_17] : memref<320000xi32, #tpu.memory_space<hbm>> -> memref<80xi32, #tpu.memory_space<hbm>>
    tpu.enqueue_dma source(%dma_start3A_19 : memref<80xi32, #tpu.memory_space<hbm>>) target(%arg12 : memref<80xi32, #tpu.memory_space<vmem>>) target_semaphore(%arg24 : memref<!tpu.dma_semaphore, #tpu.memory_space<semaphore_mem>>)
    %add3A_20 = arith.constant 80 : i32
    %add3A_21 = arith.addi %mul3A_6, %add3A_20 : i32
    %multiple_of3A_22 = tpu.assume_multiple %add3A_21, 8 : i32
    %dma_start3A_23 = tpu.memref_slice %arg4[%multiple_of3A_22] : memref<320000xi32, #tpu.memory_space<hbm>> -> memref<80xi32, #tpu.memory_space<hbm>>
    %dma_start3A_24 = tpu.memref_slice %arg4[%multiple_of3A_22] : memref<320000xi32, #tpu.memory_space<hbm>> -> memref<80xi32, #tpu.memory_space<hbm>>
    tpu.enqueue_dma source(%dma_start3A_24 : memref<80xi32, #tpu.memory_space<hbm>>) target(%arg15 : memref<80xi32, #tpu.memory_space<vmem>>) target_semaphore(%arg24 : memref<!tpu.dma_semaphore, #tpu.memory_space<semaphore_mem>>)
    %add3A_25 = arith.constant 80 : i32
    %add3A_26 = arith.addi %mul3A_6, %add3A_25 : i32
    %multiple_of3A_27 = tpu.assume_multiple %add3A_26, 8 : i32
    %dma_wait3A = tpu.memref_slice %arg3[%multiple_of3A_27] : memref<320000xi32, #tpu.memory_space<hbm>> -> memref<80xi32, #tpu.memory_space<hbm>>
    %dma_wait3A_28 = tpu.memref_slice %arg3[%multiple_of3A_27] : memref<320000xi32, #tpu.memory_space<hbm>> -> memref<80xi32, #tpu.memory_space<hbm>>
    tpu.wait_dma2 semaphore(%arg24 : memref<!tpu.dma_semaphore, #tpu.memory_space<semaphore_mem>>) src(%dma_wait3A_28 : memref<80xi32, #tpu.memory_space<hbm>>) dst(%arg12 : memref<80xi32, #tpu.memory_space<vmem>>)
    %add3A_29 = arith.constant 80 : i32
    %add3A_30 = arith.addi %mul3A_6, %add3A_29 : i32
    %multiple_of3A_31 = tpu.assume_multiple %add3A_30, 8 : i32
    %dma_wait3A_32 = tpu.memref_slice %arg4[%multiple_of3A_31] : memref<320000xi32, #tpu.memory_space<hbm>> -> memref<80xi32, #tpu.memory_space<hbm>>
    %dma_wait3A_33 = tpu.memref_slice %arg4[%multiple_of3A_31] : memref<320000xi32, #tpu.memory_space<hbm>> -> memref<80xi32, #tpu.memory_space<hbm>>
    tpu.wait_dma2 semaphore(%arg24 : memref<!tpu.dma_semaphore, #tpu.memory_space<semaphore_mem>>) src(%dma_wait3A_33 : memref<80xi32, #tpu.memory_space<hbm>>) dst(%arg15 : memref<80xi32, #tpu.memory_space<vmem>>)
    %dma_start3A_34 = arith.constant 0 : i32
    %dma_start3A_35 = arith.constant 0 : i32
    %dma_start3A_36 = tpu.memref_slice %arg2[%dma_start3A_34, %dma_start3A_35] : memref<10000x128xf32, #tpu.memory_space<hbm>> -> memref<10000x128xf32, #tpu.memory_space<hbm>>
    tpu.enqueue_indirect_dma source(%dma_start3A_36 : memref<10000x128xf32, #tpu.memory_space<hbm>>) target(%arg18 : memref<80x128xf32, #tpu.memory_space<vmem>>) offsets(%arg12 : memref<80xi32, #tpu.memory_space<vmem>>) semaphore(%arg21 : memref<!tpu.dma_semaphore, #tpu.memory_space<semaphore_mem>>)
    %add3A_37 = arith.constant 160 : i32
    %add3A_38 = arith.addi %mul3A_6, %add3A_37 : i32
    %multiple_of3A_39 = tpu.assume_multiple %add3A_38, 8 : i32
    %dma_start3A_40 = tpu.memref_slice %arg3[%multiple_of3A_39] : memref<320000xi32, #tpu.memory_space<hbm>> -> memref<80xi32, #tpu.memory_space<hbm>>
    %dma_start3A_41 = tpu.memref_slice %arg3[%multiple_of3A_39] : memref<320000xi32, #tpu.memory_space<hbm>> -> memref<80xi32, #tpu.memory_space<hbm>>
    tpu.enqueue_dma source(%dma_start3A_41 : memref<80xi32, #tpu.memory_space<hbm>>) target(%arg13 : memref<80xi32, #tpu.memory_space<vmem>>) target_semaphore(%arg25 : memref<!tpu.dma_semaphore, #tpu.memory_space<semaphore_mem>>)
    %add3A_42 = arith.constant 160 : i32
    %add3A_43 = arith.addi %mul3A_6, %add3A_42 : i32
    %multiple_of3A_44 = tpu.assume_multiple %add3A_43, 8 : i32
    %dma_start3A_45 = tpu.memref_slice %arg4[%multiple_of3A_44] : memref<320000xi32, #tpu.memory_space<hbm>> -> memref<80xi32, #tpu.memory_space<hbm>>
    %dma_start3A_46 = tpu.memref_slice %arg4[%multiple_of3A_44] : memref<320000xi32, #tpu.memory_space<hbm>> -> memref<80xi32, #tpu.memory_space<hbm>>
    tpu.enqueue_dma source(%dma_start3A_46 : memref<80xi32, #tpu.memory_space<hbm>>) target(%arg16 : memref<80xi32, #tpu.memory_space<vmem>>) target_semaphore(%arg25 : memref<!tpu.dma_semaphore, #tpu.memory_space<semaphore_mem>>)
    %scan3A = arith.constant 0 : i32
    %scan3A_47 = arith.constant 42 : i32
    %scan3A_48 = arith.addi %scan3A, %scan3A_47 : i32
    %scan3A_49 = arith.constant 1 : i32
    scf.for %scan3A_52 = %scan3A to %scan3A_48 step %scan3A_49  : i32 {
      %mul3A_53 = arith.constant 1 : i32
      %mul3A_54 = arith.muli %scan3A_52, %mul3A_53 : i32
      %add3A_55 = arith.constant 0 : i32
      %add3A_56 = arith.addi %add3A_55, %mul3A_54 : i32
      %mul3A_57 = arith.constant 3 : i32
      %mul3A_58 = arith.muli %mul3A_57, %add3A_56 : i32
      %dma_wait3A_59 = arith.constant 0 : i32
      %dma_wait3A_60 = arith.constant 0 : i32
      %dma_wait3A_61 = tpu.memref_slice %arg2[%dma_wait3A_59, %dma_wait3A_60] : memref<10000x128xf32, #tpu.memory_space<hbm>> -> memref<10000x128xf32, #tpu.memory_space<hbm>>
      tpu.wait_indirect_dma semaphore(%arg20 : memref<!tpu.dma_semaphore, #tpu.memory_space<semaphore_mem>>) src(%dma_wait3A_61 : memref<10000x128xf32, #tpu.memory_space<hbm>>) dst(%arg17 : memref<80x128xf32, #tpu.memory_space<vmem>>)
      %add3A_62 = arith.constant 2 : i32
      %add3A_63 = arith.addi %mul3A_58, %add3A_62 : i32
      %lt3A = arith.constant 125 : i32
      %lt3A_64 = arith.cmpi slt, %add3A_63, %lt3A : i32
      %convert_element_type3A = arith.extui %lt3A_64 : i1 to i32
      %cond3A = arith.constant 0 : i32
      %cond3A_65 = arith.cmpi ne, %convert_element_type3A, %cond3A : i32
      scf.if %cond3A_65 {
        %add3A_96 = arith.constant 2 : i32
        %add3A_97 = arith.addi %mul3A_58, %add3A_96 : i32
        %mul3A_98 = arith.constant 80 : i32
        %mul3A_99 = arith.muli %add3A_97, %mul3A_98 : i32
        %add3A_100 = arith.addi %mul3A_6, %mul3A_99 : i32
        %multiple_of3A_101 = tpu.assume_multiple %add3A_100, 8 : i32
        %dma_wait3A_102 = tpu.memref_slice %arg3[%multiple_of3A_101] : memref<320000xi32, #tpu.memory_space<hbm>> -> memref<80xi32, #tpu.memory_space<hbm>>
        %dma_wait3A_103 = tpu.memref_slice %arg3[%multiple_of3A_101] : memref<320000xi32, #tpu.memory_space<hbm>> -> memref<80xi32, #tpu.memory_space<hbm>>
        tpu.wait_dma2 semaphore(%arg25 : memref<!tpu.dma_semaphore, #tpu.memory_space<semaphore_mem>>) src(%dma_wait3A_103 : memref<80xi32, #tpu.memory_space<hbm>>) dst(%arg13 : memref<80xi32, #tpu.memory_space<vmem>>)
        %mul3A_104 = arith.constant 80 : i32
        %mul3A_105 = arith.muli %add3A_97, %mul3A_104 : i32
        %add3A_106 = arith.addi %mul3A_6, %mul3A_105 : i32
        %multiple_of3A_107 = tpu.assume_multiple %add3A_106, 8 : i32
        %dma_wait3A_108 = tpu.memref_slice %arg4[%multiple_of3A_107] : memref<320000xi32, #tpu.memory_space<hbm>> -> memref<80xi32, #tpu.memory_space<hbm>>
        %dma_wait3A_109 = tpu.memref_slice %arg4[%multiple_of3A_107] : memref<320000xi32, #tpu.memory_space<hbm>> -> memref<80xi32, #tpu.memory_space<hbm>>
        tpu.wait_dma2 semaphore(%arg25 : memref<!tpu.dma_semaphore, #tpu.memory_space<semaphore_mem>>) src(%dma_wait3A_109 : memref<80xi32, #tpu.memory_space<hbm>>) dst(%arg16 : memref<80xi32, #tpu.memory_space<vmem>>)
        %dma_start3A_110 = arith.constant 0 : i32
        %dma_start3A_111 = arith.constant 0 : i32
        %dma_start3A_112 = tpu.memref_slice %arg2[%dma_start3A_110, %dma_start3A_111] : memref<10000x128xf32, #tpu.memory_space<hbm>> -> memref<10000x128xf32, #tpu.memory_space<hbm>>
        tpu.enqueue_indirect_dma source(%dma_start3A_112 : memref<10000x128xf32, #tpu.memory_space<hbm>>) target(%arg19 : memref<80x128xf32, #tpu.memory_space<vmem>>) offsets(%arg13 : memref<80xi32, #tpu.memory_space<vmem>>) semaphore(%arg22 : memref<!tpu.dma_semaphore, #tpu.memory_space<semaphore_mem>>)
      } else {
      }
      "tpu.region"() ({
        %run_scoped3A = tpu.sem_alloc : memref<!tpu.dma_semaphore, #tpu.memory_space<semaphore_mem>>
        %dma_start3A_96 = arith.constant 0 : i32
        %dma_start3A_97 = arith.constant 0 : i32
        %dma_start3A_98 = tpu.memref_slice %arg9[%dma_start3A_96, %dma_start3A_97] : memref<10000x128xf32, #tpu.memory_space<vmem_shared>> -> memref<10000x128xf32, #tpu.memory_space<vmem_shared>>
        tpu.enqueue_indirect_dma source(%arg17 : memref<80x128xf32, #tpu.memory_space<vmem>>) target(%dma_start3A_98 : memref<10000x128xf32, #tpu.memory_space<vmem_shared>>) offsets(%arg14 : memref<80xi32, #tpu.memory_space<vmem>>) semaphore(%run_scoped3A : memref<!tpu.dma_semaphore, #tpu.memory_space<semaphore_mem>>) {add = true}
        %dma_wait3A_99 = arith.constant 0 : i32
        %dma_wait3A_100 = arith.constant 0 : i32
        %dma_wait3A_101 = tpu.memref_slice %arg9[%dma_wait3A_99, %dma_wait3A_100] : memref<10000x128xf32, #tpu.memory_space<vmem_shared>> -> memref<10000x128xf32, #tpu.memory_space<vmem_shared>>
        tpu.wait_indirect_dma semaphore(%run_scoped3A : memref<!tpu.dma_semaphore, #tpu.memory_space<semaphore_mem>>) src(%arg17 : memref<80x128xf32, #tpu.memory_space<vmem>>) dst(%dma_wait3A_101 : memref<10000x128xf32, #tpu.memory_space<vmem_shared>>)
        tpu.yield
      }) : () -> ()
      %get3A = arith.constant 0 : index
      %get3A_66 = tpu.vector_load %arg14[%get3A] {strides = array<i32>} : memref<80xi32, #tpu.memory_space<vmem>>, vector<16xi32>,
      tpu.vector_store_idx %arg10[%get3A_66], %broadcast_in_dim3A_4 {add = true} : memref<10240xf32, #tpu.memory_space<vmem>>[vector<16xi32>], vector<16xf32>,
      %get3A_67 = arith.constant 16 : index
      %get3A_68 = tpu.vector_load %arg14[%get3A_67] {strides = array<i32>} : memref<80xi32, #tpu.memory_space<vmem>>, vector<16xi32>,
      tpu.vector_store_idx %arg10[%get3A_68], %broadcast_in_dim3A_4 {add = true} : memref<10240xf32, #tpu.memory_space<vmem>>[vector<16xi32>], vector<16xf32>,
      %get3A_69 = arith.constant 32 : index
      %get3A_70 = tpu.vector_load %arg14[%get3A_69] {strides = array<i32>} : memref<80xi32, #tpu.memory_space<vmem>>, vector<16xi32>,
      tpu.vector_store_idx %arg10[%get3A_70], %broadcast_in_dim3A_4 {add = true} : memref<10240xf32, #tpu.memory_space<vmem>>[vector<16xi32>], vector<16xf32>,
      %get3A_71 = arith.constant 48 : index
      %get3A_72 = tpu.vector_load %arg14[%get3A_71] {strides = array<i32>} : memref<80xi32, #tpu.memory_space<vmem>>, vector<16xi32>,
      tpu.vector_store_idx %arg10[%get3A_72], %broadcast_in_dim3A_4 {add = true} : memref<10240xf32, #tpu.memory_space<vmem>>[vector<16xi32>], vector<16xf32>,
      %get3A_73 = arith.constant 64 : index
      %get3A_74 = tpu.vector_load %arg14[%get3A_73] {strides = array<i32>} : memref<80xi32, #tpu.memory_space<vmem>>, vector<16xi32>,
      tpu.vector_store_idx %arg10[%get3A_74], %broadcast_in_dim3A_4 {add = true} : memref<10240xf32, #tpu.memory_space<vmem>>[vector<16xi32>], vector<16xf32>,
      %add3A_75 = arith.constant 3 : i32
      %add3A_76 = arith.addi %mul3A_58, %add3A_75 : i32
      %lt3A_77 = arith.constant 125 : i32
      %lt3A_78 = arith.cmpi slt, %add3A_76, %lt3A_77 : i32
      %convert_element_type3A_79 = arith.extui %lt3A_78 : i1 to i32
      %cond3A_80 = arith.constant 0 : i32
      %cond3A_81 = arith.cmpi ne, %convert_element_type3A_79, %cond3A_80 : i32
      scf.if %cond3A_81 {
        %add3A_96 = arith.constant 3 : i32
        %add3A_97 = arith.addi %mul3A_58, %add3A_96 : i32
        %mul3A_98 = arith.constant 80 : i32
        %mul3A_99 = arith.muli %add3A_97, %mul3A_98 : i32
        %add3A_100 = arith.addi %mul3A_6, %mul3A_99 : i32
        %multiple_of3A_101 = tpu.assume_multiple %add3A_100, 8 : i32
        %dma_start3A_102 = tpu.memref_slice %arg3[%multiple_of3A_101] : memref<320000xi32, #tpu.memory_space<hbm>> -> memref<80xi32, #tpu.memory_space<hbm>>
        %dma_start3A_103 = tpu.memref_slice %arg3[%multiple_of3A_101] : memref<320000xi32, #tpu.memory_space<hbm>> -> memref<80xi32, #tpu.memory_space<hbm>>
        tpu.enqueue_dma source(%dma_start3A_103 : memref<80xi32, #tpu.memory_space<hbm>>) target(%arg11 : memref<80xi32, #tpu.memory_space<vmem>>) target_semaphore(%arg23 : memref<!tpu.dma_semaphore, #tpu.memory_space<semaphore_mem>>)
        %mul3A_104 = arith.constant 80 : i32
        %mul3A_105 = arith.muli %add3A_97, %mul3A_104 : i32
        %add3A_106 = arith.addi %mul3A_6, %mul3A_105 : i32
        %multiple_of3A_107 = tpu.assume_multiple %add3A_106, 8 : i32
        %dma_start3A_108 = tpu.memref_slice %arg4[%multiple_of3A_107] : memref<320000xi32, #tpu.memory_space<hbm>> -> memref<80xi32, #tpu.memory_space<hbm>>
        %dma_start3A_109 = tpu.memref_slice %arg4[%multiple_of3A_107] : memref<320000xi32, #tpu.memory_space<hbm>> -> memref<80xi32, #tpu.memory_space<hbm>>
        tpu.enqueue_dma source(%dma_start3A_109 : memref<80xi32, #tpu.memory_space<hbm>>) target(%arg14 : memref<80xi32, #tpu.memory_space<vmem>>) target_semaphore(%arg23 : memref<!tpu.dma_semaphore, #tpu.memory_space<semaphore_mem>>)
      } else {
      }
      %add3A_82 = arith.constant 1 : i32
      %add3A_83 = arith.addi %mul3A_58, %add3A_82 : i32
      %lt3A_84 = arith.constant 125 : i32
      %lt3A_85 = arith.cmpi slt, %add3A_83, %lt3A_84 : i32
      %convert_element_type3A_86 = arith.extui %lt3A_85 : i1 to i32
      %cond3A_87 = arith.constant 0 : i32
      %cond3A_88 = arith.cmpi ne, %convert_element_type3A_86, %cond3A_87 : i32
      scf.if %cond3A_88 {
        %add3A_96 = arith.constant 1 : i32
        %add3A_97 = arith.addi %mul3A_58, %add3A_96 : i32
        %dma_wait3A_98 = arith.constant 0 : i32
        %dma_wait3A_99 = arith.constant 0 : i32
        %dma_wait3A_100 = tpu.memref_slice %arg2[%dma_wait3A_98, %dma_wait3A_99] : memref<10000x128xf32, #tpu.memory_space<hbm>> -> memref<10000x128xf32, #tpu.memory_space<hbm>>
        tpu.wait_indirect_dma semaphore(%arg21 : memref<!tpu.dma_semaphore, #tpu.memory_space<semaphore_mem>>) src(%dma_wait3A_100 : memref<10000x128xf32, #tpu.memory_space<hbm>>) dst(%arg18 : memref<80x128xf32, #tpu.memory_space<vmem>>)
        %add3A_101 = arith.constant 2 : i32
        %add3A_102 = arith.addi %add3A_97, %add3A_101 : i32
        %lt3A_103 = arith.constant 125 : i32
        %lt3A_104 = arith.cmpi slt, %add3A_102, %lt3A_103 : i32
        %convert_element_type3A_105 = arith.extui %lt3A_104 : i1 to i32
        %cond3A_106 = arith.constant 0 : i32
        %cond3A_107 = arith.cmpi ne, %convert_element_type3A_105, %cond3A_106 : i32
        scf.if %cond3A_107 {
          %add3A_125 = arith.constant 2 : i32
          %add3A_126 = arith.addi %add3A_97, %add3A_125 : i32
          %mul3A_127 = arith.constant 80 : i32
          %mul3A_128 = arith.muli %add3A_126, %mul3A_127 : i32
          %add3A_129 = arith.addi %mul3A_6, %mul3A_128 : i32
          %multiple_of3A_130 = tpu.assume_multiple %add3A_129, 8 : i32
          %dma_wait3A_131 = tpu.memref_slice %arg3[%multiple_of3A_130] : memref<320000xi32, #tpu.memory_space<hbm>> -> memref<80xi32, #tpu.memory_space<hbm>>
          %dma_wait3A_132 = tpu.memref_slice %arg3[%multiple_of3A_130] : memref<320000xi32, #tpu.memory_space<hbm>> -> memref<80xi32, #tpu.memory_space<hbm>>
          tpu.wait_dma2 semaphore(%arg23 : memref<!tpu.dma_semaphore, #tpu.memory_space<semaphore_mem>>) src(%dma_wait3A_132 : memref<80xi32, #tpu.memory_space<hbm>>) dst(%arg11 : memref<80xi32, #tpu.memory_space<vmem>>)
          %mul3A_133 = arith.constant 80 : i32
          %mul3A_134 = arith.muli %add3A_126, %mul3A_133 : i32
          %add3A_135 = arith.addi %mul3A_6, %mul3A_134 : i32
          %multiple_of3A_136 = tpu.assume_multiple %add3A_135, 8 : i32
          %dma_wait3A_137 = tpu.memref_slice %arg4[%multiple_of3A_136] : memref<320000xi32, #tpu.memory_space<hbm>> -> memref<80xi32, #tpu.memory_space<hbm>>
          %dma_wait3A_138 = tpu.memref_slice %arg4[%multiple_of3A_136] : memref<320000xi32, #tpu.memory_space<hbm>> -> memref<80xi32, #tpu.memory_space<hbm>>
          tpu.wait_dma2 semaphore(%arg23 : memref<!tpu.dma_semaphore, #tpu.memory_space<semaphore_mem>>) src(%dma_wait3A_138 : memref<80xi32, #tpu.memory_space<hbm>>) dst(%arg14 : memref<80xi32, #tpu.memory_space<vmem>>)
          %dma_start3A_139 = arith.constant 0 : i32
          %dma_start3A_140 = arith.constant 0 : i32
          %dma_start3A_141 = tpu.memref_slice %arg2[%dma_start3A_139, %dma_start3A_140] : memref<10000x128xf32, #tpu.memory_space<hbm>> -> memref<10000x128xf32, #tpu.memory_space<hbm>>
          tpu.enqueue_indirect_dma source(%dma_start3A_141 : memref<10000x128xf32, #tpu.memory_space<hbm>>) target(%arg17 : memref<80x128xf32, #tpu.memory_space<vmem>>) offsets(%arg11 : memref<80xi32, #tpu.memory_space<vmem>>) semaphore(%arg20 : memref<!tpu.dma_semaphore, #tpu.memory_space<semaphore_mem>>)
        } else {
        }
        "tpu.region"() ({
          %run_scoped3A = tpu.sem_alloc : memref<!tpu.dma_semaphore, #tpu.memory_space<semaphore_mem>>
          %dma_start3A_125 = arith.constant 0 : i32
          %dma_start3A_126 = arith.constant 0 : i32
          %dma_start3A_127 = tpu.memref_slice %arg9[%dma_start3A_125, %dma_start3A_126] : memref<10000x128xf32, #tpu.memory_space<vmem_shared>> -> memref<10000x128xf32, #tpu.memory_space<vmem_shared>>
          tpu.enqueue_indirect_dma source(%arg18 : memref<80x128xf32, #tpu.memory_space<vmem>>) target(%dma_start3A_127 : memref<10000x128xf32, #tpu.memory_space<vmem_shared>>) offsets(%arg15 : memref<80xi32, #tpu.memory_space<vmem>>) semaphore(%run_scoped3A : memref<!tpu.dma_semaphore, #tpu.memory_space<semaphore_mem>>) {add = true}
          %dma_wait3A_128 = arith.constant 0 : i32
          %dma_wait3A_129 = arith.constant 0 : i32
          %dma_wait3A_130 = tpu.memref_slice %arg9[%dma_wait3A_128, %dma_wait3A_129] : memref<10000x128xf32, #tpu.memory_space<vmem_shared>> -> memref<10000x128xf32, #tpu.memory_space<vmem_shared>>
          tpu.wait_indirect_dma semaphore(%run_scoped3A : memref<!tpu.dma_semaphore, #tpu.memory_space<semaphore_mem>>) src(%arg18 : memref<80x128xf32, #tpu.memory_space<vmem>>) dst(%dma_wait3A_130 : memref<10000x128xf32, #tpu.memory_space<vmem_shared>>)
          tpu.yield
        }) : () -> ()
        %get3A_108 = arith.constant 0 : index
        %get3A_109 = tpu.vector_load %arg15[%get3A_108] {strides = array<i32>} : memref<80xi32, #tpu.memory_space<vmem>>, vector<16xi32>,
        tpu.vector_store_idx %arg10[%get3A_109], %broadcast_in_dim3A_4 {add = true} : memref<10240xf32, #tpu.memory_space<vmem>>[vector<16xi32>], vector<16xf32>,
        %get3A_110 = arith.constant 16 : index
        %get3A_111 = tpu.vector_load %arg15[%get3A_110] {strides = array<i32>} : memref<80xi32, #tpu.memory_space<vmem>>, vector<16xi32>,
        tpu.vector_store_idx %arg10[%get3A_111], %broadcast_in_dim3A_4 {add = true} : memref<10240xf32, #tpu.memory_space<vmem>>[vector<16xi32>], vector<16xf32>,
        %get3A_112 = arith.constant 32 : index
        %get3A_113 = tpu.vector_load %arg15[%get3A_112] {strides = array<i32>} : memref<80xi32, #tpu.memory_space<vmem>>, vector<16xi32>,
        tpu.vector_store_idx %arg10[%get3A_113], %broadcast_in_dim3A_4 {add = true} : memref<10240xf32, #tpu.memory_space<vmem>>[vector<16xi32>], vector<16xf32>,
        %get3A_114 = arith.constant 48 : index
        %get3A_115 = tpu.vector_load %arg15[%get3A_114] {strides = array<i32>} : memref<80xi32, #tpu.memory_space<vmem>>, vector<16xi32>,
        tpu.vector_store_idx %arg10[%get3A_115], %broadcast_in_dim3A_4 {add = true} : memref<10240xf32, #tpu.memory_space<vmem>>[vector<16xi32>], vector<16xf32>,
        %get3A_116 = arith.constant 64 : index
        %get3A_117 = tpu.vector_load %arg15[%get3A_116] {strides = array<i32>} : memref<80xi32, #tpu.memory_space<vmem>>, vector<16xi32>,
        tpu.vector_store_idx %arg10[%get3A_117], %broadcast_in_dim3A_4 {add = true} : memref<10240xf32, #tpu.memory_space<vmem>>[vector<16xi32>], vector<16xf32>,
        %add3A_118 = arith.constant 3 : i32
        %add3A_119 = arith.addi %add3A_97, %add3A_118 : i32
        %lt3A_120 = arith.constant 125 : i32
        %lt3A_121 = arith.cmpi slt, %add3A_119, %lt3A_120 : i32
        %convert_element_type3A_122 = arith.extui %lt3A_121 : i1 to i32
        %cond3A_123 = arith.constant 0 : i32
        %cond3A_124 = arith.cmpi ne, %convert_element_type3A_122, %cond3A_123 : i32
        scf.if %cond3A_124 {
          %add3A_125 = arith.constant 3 : i32
          %add3A_126 = arith.addi %add3A_97, %add3A_125 : i32
          %mul3A_127 = arith.constant 80 : i32
          %mul3A_128 = arith.muli %add3A_126, %mul3A_127 : i32
          %add3A_129 = arith.addi %mul3A_6, %mul3A_128 : i32
          %multiple_of3A_130 = tpu.assume_multiple %add3A_129, 8 : i32
          %dma_start3A_131 = tpu.memref_slice %arg3[%multiple_of3A_130] : memref<320000xi32, #tpu.memory_space<hbm>> -> memref<80xi32, #tpu.memory_space<hbm>>
          %dma_start3A_132 = tpu.memref_slice %arg3[%multiple_of3A_130] : memref<320000xi32, #tpu.memory_space<hbm>> -> memref<80xi32, #tpu.memory_space<hbm>>
          tpu.enqueue_dma source(%dma_start3A_132 : memref<80xi32, #tpu.memory_space<hbm>>) target(%arg12 : memref<80xi32, #tpu.memory_space<vmem>>) target_semaphore(%arg24 : memref<!tpu.dma_semaphore, #tpu.memory_space<semaphore_mem>>)
          %mul3A_133 = arith.constant 80 : i32
          %mul3A_134 = arith.muli %add3A_126, %mul3A_133 : i32
          %add3A_135 = arith.addi %mul3A_6, %mul3A_134 : i32
          %multiple_of3A_136 = tpu.assume_multiple %add3A_135, 8 : i32
          %dma_start3A_137 = tpu.memref_slice %arg4[%multiple_of3A_136] : memref<320000xi32, #tpu.memory_space<hbm>> -> memref<80xi32, #tpu.memory_space<hbm>>
          %dma_start3A_138 = tpu.memref_slice %arg4[%multiple_of3A_136] : memref<320000xi32, #tpu.memory_space<hbm>> -> memref<80xi32, #tpu.memory_space<hbm>>
          tpu.enqueue_dma source(%dma_start3A_138 : memref<80xi32, #tpu.memory_space<hbm>>) target(%arg15 : memref<80xi32, #tpu.memory_space<vmem>>) target_semaphore(%arg24 : memref<!tpu.dma_semaphore, #tpu.memory_space<semaphore_mem>>)
        } else {
        }
      } else {
      }
      %add3A_89 = arith.constant 2 : i32
      %add3A_90 = arith.addi %mul3A_58, %add3A_89 : i32
      %lt3A_91 = arith.constant 125 : i32
      %lt3A_92 = arith.cmpi slt, %add3A_90, %lt3A_91 : i32
      %convert_element_type3A_93 = arith.extui %lt3A_92 : i1 to i32
      %cond3A_94 = arith.constant 0 : i32
      %cond3A_95 = arith.cmpi ne, %convert_element_type3A_93, %cond3A_94 : i32
      scf.if %cond3A_95 {
        %add3A_96 = arith.constant 2 : i32
        %add3A_97 = arith.addi %mul3A_58, %add3A_96 : i32
        %dma_wait3A_98 = arith.constant 0 : i32
        %dma_wait3A_99 = arith.constant 0 : i32
        %dma_wait3A_100 = tpu.memref_slice %arg2[%dma_wait3A_98, %dma_wait3A_99] : memref<10000x128xf32, #tpu.memory_space<hbm>> -> memref<10000x128xf32, #tpu.memory_space<hbm>>
        tpu.wait_indirect_dma semaphore(%arg22 : memref<!tpu.dma_semaphore, #tpu.memory_space<semaphore_mem>>) src(%dma_wait3A_100 : memref<10000x128xf32, #tpu.memory_space<hbm>>) dst(%arg19 : memref<80x128xf32, #tpu.memory_space<vmem>>)
        %add3A_101 = arith.constant 2 : i32
        %add3A_102 = arith.addi %add3A_97, %add3A_101 : i32
        %lt3A_103 = arith.constant 125 : i32
        %lt3A_104 = arith.cmpi slt, %add3A_102, %lt3A_103 : i32
        %convert_element_type3A_105 = arith.extui %lt3A_104 : i1 to i32
        %cond3A_106 = arith.constant 0 : i32
        %cond3A_107 = arith.cmpi ne, %convert_element_type3A_105, %cond3A_106 : i32
        scf.if %cond3A_107 {
          %add3A_125 = arith.constant 2 : i32
          %add3A_126 = arith.addi %add3A_97, %add3A_125 : i32
          %mul3A_127 = arith.constant 80 : i32
          %mul3A_128 = arith.muli %add3A_126, %mul3A_127 : i32
          %add3A_129 = arith.addi %mul3A_6, %mul3A_128 : i32
          %multiple_of3A_130 = tpu.assume_multiple %add3A_129, 8 : i32
          %dma_wait3A_131 = tpu.memref_slice %arg3[%multiple_of3A_130] : memref<320000xi32, #tpu.memory_space<hbm>> -> memref<80xi32, #tpu.memory_space<hbm>>
          %dma_wait3A_132 = tpu.memref_slice %arg3[%multiple_of3A_130] : memref<320000xi32, #tpu.memory_space<hbm>> -> memref<80xi32, #tpu.memory_space<hbm>>
          tpu.wait_dma2 semaphore(%arg24 : memref<!tpu.dma_semaphore, #tpu.memory_space<semaphore_mem>>) src(%dma_wait3A_132 : memref<80xi32, #tpu.memory_space<hbm>>) dst(%arg12 : memref<80xi32, #tpu.memory_space<vmem>>)
          %mul3A_133 = arith.constant 80 : i32
          %mul3A_134 = arith.muli %add3A_126, %mul3A_133 : i32
          %add3A_135 = arith.addi %mul3A_6, %mul3A_134 : i32
          %multiple_of3A_136 = tpu.assume_multiple %add3A_135, 8 : i32
          %dma_wait3A_137 = tpu.memref_slice %arg4[%multiple_of3A_136] : memref<320000xi32, #tpu.memory_space<hbm>> -> memref<80xi32, #tpu.memory_space<hbm>>
          %dma_wait3A_138 = tpu.memref_slice %arg4[%multiple_of3A_136] : memref<320000xi32, #tpu.memory_space<hbm>> -> memref<80xi32, #tpu.memory_space<hbm>>
          tpu.wait_dma2 semaphore(%arg24 : memref<!tpu.dma_semaphore, #tpu.memory_space<semaphore_mem>>) src(%dma_wait3A_138 : memref<80xi32, #tpu.memory_space<hbm>>) dst(%arg15 : memref<80xi32, #tpu.memory_space<vmem>>)
          %dma_start3A_139 = arith.constant 0 : i32
          %dma_start3A_140 = arith.constant 0 : i32
          %dma_start3A_141 = tpu.memref_slice %arg2[%dma_start3A_139, %dma_start3A_140] : memref<10000x128xf32, #tpu.memory_space<hbm>> -> memref<10000x128xf32, #tpu.memory_space<hbm>>
          tpu.enqueue_indirect_dma source(%dma_start3A_141 : memref<10000x128xf32, #tpu.memory_space<hbm>>) target(%arg18 : memref<80x128xf32, #tpu.memory_space<vmem>>) offsets(%arg12 : memref<80xi32, #tpu.memory_space<vmem>>) semaphore(%arg21 : memref<!tpu.dma_semaphore, #tpu.memory_space<semaphore_mem>>)
        } else {
        }
        "tpu.region"() ({
          %run_scoped3A = tpu.sem_alloc : memref<!tpu.dma_semaphore, #tpu.memory_space<semaphore_mem>>
          %dma_start3A_125 = arith.constant 0 : i32
          %dma_start3A_126 = arith.constant 0 : i32
          %dma_start3A_127 = tpu.memref_slice %arg9[%dma_start3A_125, %dma_start3A_126] : memref<10000x128xf32, #tpu.memory_space<vmem_shared>> -> memref<10000x128xf32, #tpu.memory_space<vmem_shared>>
          tpu.enqueue_indirect_dma source(%arg19 : memref<80x128xf32, #tpu.memory_space<vmem>>) target(%dma_start3A_127 : memref<10000x128xf32, #tpu.memory_space<vmem_shared>>) offsets(%arg16 : memref<80xi32, #tpu.memory_space<vmem>>) semaphore(%run_scoped3A : memref<!tpu.dma_semaphore, #tpu.memory_space<semaphore_mem>>) {add = true}
          %dma_wait3A_128 = arith.constant 0 : i32
          %dma_wait3A_129 = arith.constant 0 : i32
          %dma_wait3A_130 = tpu.memref_slice %arg9[%dma_wait3A_128, %dma_wait3A_129] : memref<10000x128xf32, #tpu.memory_space<vmem_shared>> -> memref<10000x128xf32, #tpu.memory_space<vmem_shared>>
          tpu.wait_indirect_dma semaphore(%run_scoped3A : memref<!tpu.dma_semaphore, #tpu.memory_space<semaphore_mem>>) src(%arg19 : memref<80x128xf32, #tpu.memory_space<vmem>>) dst(%dma_wait3A_130 : memref<10000x128xf32, #tpu.memory_space<vmem_shared>>)
          tpu.yield
        }) : () -> ()
        %get3A_108 = arith.constant 0 : index
        %get3A_109 = tpu.vector_load %arg16[%get3A_108] {strides = array<i32>} : memref<80xi32, #tpu.memory_space<vmem>>, vector<16xi32>,
        tpu.vector_store_idx %arg10[%get3A_109], %broadcast_in_dim3A_4 {add = true} : memref<10240xf32, #tpu.memory_space<vmem>>[vector<16xi32>], vector<16xf32>,
        %get3A_110 = arith.constant 16 : index
        %get3A_111 = tpu.vector_load %arg16[%get3A_110] {strides = array<i32>} : memref<80xi32, #tpu.memory_space<vmem>>, vector<16xi32>,
        tpu.vector_store_idx %arg10[%get3A_111], %broadcast_in_dim3A_4 {add = true} : memref<10240xf32, #tpu.memory_space<vmem>>[vector<16xi32>], vector<16xf32>,
        %get3A_112 = arith.constant 32 : index
        %get3A_113 = tpu.vector_load %arg16[%get3A_112] {strides = array<i32>} : memref<80xi32, #tpu.memory_space<vmem>>, vector<16xi32>,
        tpu.vector_store_idx %arg10[%get3A_113], %broadcast_in_dim3A_4 {add = true} : memref<10240xf32, #tpu.memory_space<vmem>>[vector<16xi32>], vector<16xf32>,
        %get3A_114 = arith.constant 48 : index
        %get3A_115 = tpu.vector_load %arg16[%get3A_114] {strides = array<i32>} : memref<80xi32, #tpu.memory_space<vmem>>, vector<16xi32>,
        tpu.vector_store_idx %arg10[%get3A_115], %broadcast_in_dim3A_4 {add = true} : memref<10240xf32, #tpu.memory_space<vmem>>[vector<16xi32>], vector<16xf32>,
        %get3A_116 = arith.constant 64 : index
        %get3A_117 = tpu.vector_load %arg16[%get3A_116] {strides = array<i32>} : memref<80xi32, #tpu.memory_space<vmem>>, vector<16xi32>,
        tpu.vector_store_idx %arg10[%get3A_117], %broadcast_in_dim3A_4 {add = true} : memref<10240xf32, #tpu.memory_space<vmem>>[vector<16xi32>], vector<16xf32>,
        %add3A_118 = arith.constant 3 : i32
        %add3A_119 = arith.addi %add3A_97, %add3A_118 : i32
        %lt3A_120 = arith.constant 125 : i32
        %lt3A_121 = arith.cmpi slt, %add3A_119, %lt3A_120 : i32
        %convert_element_type3A_122 = arith.extui %lt3A_121 : i1 to i32
        %cond3A_123 = arith.constant 0 : i32
        %cond3A_124 = arith.cmpi ne, %convert_element_type3A_122, %cond3A_123 : i32
        scf.if %cond3A_124 {
          %add3A_125 = arith.constant 3 : i32
          %add3A_126 = arith.addi %add3A_97, %add3A_125 : i32
          %mul3A_127 = arith.constant 80 : i32
          %mul3A_128 = arith.muli %add3A_126, %mul3A_127 : i32
          %add3A_129 = arith.addi %mul3A_6, %mul3A_128 : i32
          %multiple_of3A_130 = tpu.assume_multiple %add3A_129, 8 : i32
          %dma_start3A_131 = tpu.memref_slice %arg3[%multiple_of3A_130] : memref<320000xi32, #tpu.memory_space<hbm>> -> memref<80xi32, #tpu.memory_space<hbm>>
          %dma_start3A_132 = tpu.memref_slice %arg3[%multiple_of3A_130] : memref<320000xi32, #tpu.memory_space<hbm>> -> memref<80xi32, #tpu.memory_space<hbm>>
          tpu.enqueue_dma source(%dma_start3A_132 : memref<80xi32, #tpu.memory_space<hbm>>) target(%arg13 : memref<80xi32, #tpu.memory_space<vmem>>) target_semaphore(%arg25 : memref<!tpu.dma_semaphore, #tpu.memory_space<semaphore_mem>>)
          %mul3A_133 = arith.constant 80 : i32
          %mul3A_134 = arith.muli %add3A_126, %mul3A_133 : i32
          %add3A_135 = arith.addi %mul3A_6, %mul3A_134 : i32
          %multiple_of3A_136 = tpu.assume_multiple %add3A_135, 8 : i32
          %dma_start3A_137 = tpu.memref_slice %arg4[%multiple_of3A_136] : memref<320000xi32, #tpu.memory_space<hbm>> -> memref<80xi32, #tpu.memory_space<hbm>>
          %dma_start3A_138 = tpu.memref_slice %arg4[%multiple_of3A_136] : memref<320000xi32, #tpu.memory_space<hbm>> -> memref<80xi32, #tpu.memory_space<hbm>>
          tpu.enqueue_dma source(%dma_start3A_138 : memref<80xi32, #tpu.memory_space<hbm>>) target(%arg16 : memref<80xi32, #tpu.memory_space<vmem>>) target_semaphore(%arg25 : memref<!tpu.dma_semaphore, #tpu.memory_space<semaphore_mem>>)
        } else {
        }
      } else {
      }
    }
    %scan3A_50 = arith.constant 42 : i32
    %barrier3A_51 = arith.constant 0 : index
    tpu.barrier barrier_id(%barrier3A_51)
    "tpu.region"() ({
      %run_scoped3A = tpu.sem_alloc : memref<!tpu.dma_semaphore, #tpu.memory_space<semaphore_mem>>
      %dma_start3A_52 = arith.constant 0 : i32
      %dma_start3A_53 = tpu.memref_slice %arg7[%arg0, %multiple_of3A, %dma_start3A_52] : memref<2x10000x128xf32, #tpu.memory_space<hbm>> -> memref<1x632x128xf32, #tpu.memory_space<hbm>>
      %dma_start3A_54 = tpu.memref_squeeze %dma_start3A_53 : memref<1x632x128xf32, #tpu.memory_space<hbm>> -> memref<632x128xf32, #tpu.memory_space<hbm>>
      %dma_start3A_55 = arith.constant 0 : i32
      %dma_start3A_56 = tpu.memref_slice %arg9[%multiple_of3A, %dma_start3A_55] : memref<10000x128xf32, #tpu.memory_space<vmem_shared>> -> memref<632x128xf32, #tpu.memory_space<vmem_shared>>
      tpu.enqueue_dma source(%dma_start3A_56 : memref<632x128xf32, #tpu.memory_space<vmem_shared>>) target(%dma_start3A_54 : memref<632x128xf32, #tpu.memory_space<hbm>>) target_semaphore(%run_scoped3A : memref<!tpu.dma_semaphore, #tpu.memory_space<semaphore_mem>>)
      %dma_wait3A_57 = arith.constant 0 : i32
      %dma_wait3A_58 = tpu.memref_slice %arg7[%arg0, %multiple_of3A, %dma_wait3A_57] : memref<2x10000x128xf32, #tpu.memory_space<hbm>> -> memref<1x632x128xf32, #tpu.memory_space<hbm>>
      %dma_wait3A_59 = tpu.memref_squeeze %dma_wait3A_58 : memref<1x632x128xf32, #tpu.memory_space<hbm>> -> memref<632x128xf32, #tpu.memory_space<hbm>>
      %dma_wait3A_60 = arith.constant 0 : i32
      %dma_wait3A_61 = tpu.memref_slice %arg9[%multiple_of3A, %dma_wait3A_60] : memref<10000x128xf32, #tpu.memory_space<vmem_shared>> -> memref<632x128xf32, #tpu.memory_space<vmem_shared>>
      tpu.wait_dma2 semaphore(%run_scoped3A : memref<!tpu.dma_semaphore, #tpu.memory_space<semaphore_mem>>) src(%dma_wait3A_61 : memref<632x128xf32, #tpu.memory_space<vmem_shared>>) dst(%dma_wait3A_59 : memref<632x128xf32, #tpu.memory_space<hbm>>)
      tpu.yield
    }) : () -> ()
    "tpu.region"() ({
      %run_scoped3A = tpu.sem_alloc : memref<!tpu.dma_semaphore, #tpu.memory_space<semaphore_mem>>
      %dma_start3A_52 = arith.constant 0 : i32
      %dma_start3A_53 = tpu.memref_slice %arg8[%add3A, %dma_start3A_52] : memref<32x10240xf32, #tpu.memory_space<hbm>> -> memref<1x10240xf32, #tpu.memory_space<hbm>>
      %dma_start3A_54 = tpu.memref_squeeze %dma_start3A_53 : memref<1x10240xf32, #tpu.memory_space<hbm>> -> memref<10240xf32, #tpu.memory_space<hbm>>
      %dma_start3A_55 = arith.constant 0 : i32
      %dma_start3A_56 = tpu.memref_slice %arg8[%add3A, %dma_start3A_55] : memref<32x10240xf32, #tpu.memory_space<hbm>> -> memref<1x10240xf32, #tpu.memory_space<hbm>>
      %dma_start3A_57 = tpu.memref_squeeze %dma_start3A_56 : memref<1x10240xf32, #tpu.memory_space<hbm>> -> memref<10240xf32, #tpu.memory_space<hbm>>
      tpu.enqueue_dma source(%arg10 : memref<10240xf32, #tpu.memory_space<vmem>>) target(%dma_start3A_57 : memref<10240xf32, #tpu.memory_space<hbm>>) target_semaphore(%run_scoped3A : memref<!tpu.dma_semaphore, #tpu.memory_space<semaphore_mem>>)
      %dma_wait3A_58 = arith.constant 0 : i32
      %dma_wait3A_59 = tpu.memref_slice %arg8[%add3A, %dma_wait3A_58] : memref<32x10240xf32, #tpu.memory_space<hbm>> -> memref<1x10240xf32, #tpu.memory_space<hbm>>
      %dma_wait3A_60 = tpu.memref_squeeze %dma_wait3A_59 : memref<1x10240xf32, #tpu.memory_space<hbm>> -> memref<10240xf32, #tpu.memory_space<hbm>>
      %dma_wait3A_61 = arith.constant 0 : i32
      %dma_wait3A_62 = tpu.memref_slice %arg8[%add3A, %dma_wait3A_61] : memref<32x10240xf32, #tpu.memory_space<hbm>> -> memref<1x10240xf32, #tpu.memory_space<hbm>>
      %dma_wait3A_63 = tpu.memref_squeeze %dma_wait3A_62 : memref<1x10240xf32, #tpu.memory_space<hbm>> -> memref<10240xf32, #tpu.memory_space<hbm>>
      tpu.wait_dma2 semaphore(%run_scoped3A : memref<!tpu.dma_semaphore, #tpu.memory_space<semaphore_mem>>) src(%arg10 : memref<10240xf32, #tpu.memory_space<vmem>>) dst(%dma_wait3A_63 : memref<10240xf32, #tpu.memory_space<hbm>>)
      tpu.yield
    }) : () -> ()
    return
  }
}

module attributes {stable_mosaic.version = 14 : i64} {
  func.func @_tc1_body(%arg0: memref<10000x128xf32, #tpu.memory_space<vmem>>, %arg1: memref<10000x1xi32, #tpu.memory_space<vmem>>, %arg2: memref<128x256xf32, #tpu.memory_space<vmem>>, %arg3: memref<256xf32, #tpu.memory_space<vmem>>, %arg4: memref<256xf32, #tpu.memory_space<vmem>>, %arg5: memref<256xf32, #tpu.memory_space<vmem>>, %arg6: memref<256x128xf32, #tpu.memory_space<vmem>>, %arg7: memref<128xf32, #tpu.memory_space<vmem>>, %arg8: memref<256x256xf32, #tpu.memory_space<vmem>>, %arg9: memref<256x128xf32, #tpu.memory_space<vmem>>, %arg10: memref<128x256xf32, #tpu.memory_space<vmem>>, %arg11: memref<256xf32, #tpu.memory_space<vmem>>, %arg12: memref<128x256xf32, #tpu.memory_space<vmem>>, %arg13: memref<256xf32, #tpu.memory_space<vmem>>, %arg14: memref<256x1xf32, #tpu.memory_space<vmem>>, %arg15: memref<1xf32, #tpu.memory_space<vmem>>, %arg16: memref<10000x128xf32, #tpu.memory_space<vmem>>, %arg17: memref<8x128xf32, #tpu.memory_space<vmem>>) attributes {dimension_semantics = [], scalar_prefetch = 0 : i64, scratch_operands = 0 : i64, tpu.core_type = #tpu.core_type<tc>} {
    %get3A = arith.constant 0 : index
    %get3A_0 = arith.constant 0 : index
    %get3A_1 = vector.load %arg0[%get3A, %get3A_0] : memref<10000x128xf32, #tpu.memory_space<vmem>>, vector<10000x128xf32>
    %get3A_2 = arith.constant 0 : index
    %get3A_3 = arith.constant 0 : index
    %get3A_4 = vector.load %arg2[%get3A_2, %get3A_3] : memref<128x256xf32, #tpu.memory_space<vmem>>, vector<128x256xf32>
    %dot_general3A = arith.constant dense<0.000000e+00> : vector<10000x256xf32>
    %dot_general3A_5 = tpu.matmul %get3A_1, %get3A_4, %dot_general3A {dimension_numbers = #tpu.dot_dimension_numbers<[1], [0], [0], [1], [0, 0, 1, 1], [], []>, transpose_lhs_hint = false} : vector<10000x128xf32>, vector<128x256xf32>, vector<10000x256xf32> -> vector<10000x256xf32>
    %get3A_6 = arith.constant 0 : index
    %get3A_7 = vector.load %arg3[%get3A_6] : memref<256xf32, #tpu.memory_space<vmem>>, vector<256xf32>
    %broadcast_in_dim3A = vector.shape_cast %get3A_7 : vector<256xf32> to vector<1x256xf32>
    %add3A = vector.broadcast %broadcast_in_dim3A : vector<1x256xf32> to vector<10000x256xf32>
    %add3A_8 = arith.addf %dot_general3A_5, %add3A : vector<10000x256xf32>
    %reduce_sum3A = arith.constant dense<0.000000e+00> : vector<256xf32>
    %reduce_sum3A_9 = vector.multi_reduction <add>, %add3A_8, %reduce_sum3A [0] : vector<10000x256xf32> to vector<256xf32>
    %broadcast_in_dim3A_10 = vector.shape_cast %reduce_sum3A_9 : vector<256xf32> to vector<1x256xf32>
    %div3A = arith.constant 1.000000e+04 : f32
    %div3A_11 = vector.broadcast %div3A : f32 to vector<1x256xf32>
    %div3A_12 = arith.divf %broadcast_in_dim3A_10, %div3A_11 : vector<1x256xf32>
    %sub3A = vector.broadcast %div3A_12 : vector<1x256xf32> to vector<10000x256xf32>
    %sub3A_13 = arith.subf %add3A_8, %sub3A : vector<10000x256xf32>
    %mul3A = arith.mulf %sub3A_13, %sub3A_13 : vector<10000x256xf32>
    %reduce_sum3A_14 = arith.constant dense<0.000000e+00> : vector<256xf32>
    %reduce_sum3A_15 = vector.multi_reduction <add>, %mul3A, %reduce_sum3A_14 [0] : vector<10000x256xf32> to vector<256xf32>
    %broadcast_in_dim3A_16 = vector.shape_cast %reduce_sum3A_15 : vector<256xf32> to vector<1x256xf32>
    %div3A_17 = arith.constant 1.000000e+04 : f32
    %div3A_18 = vector.broadcast %div3A_17 : f32 to vector<1x256xf32>
    %div3A_19 = arith.divf %broadcast_in_dim3A_16, %div3A_18 : vector<1x256xf32>
    %add3A_20 = arith.constant 9.99999974E-6 : f32
    %add3A_21 = vector.broadcast %add3A_20 : f32 to vector<1x256xf32>
    %add3A_22 = arith.addf %div3A_19, %add3A_21 : vector<1x256xf32>
    %rsqrt3A = math.rsqrt %add3A_22 : vector<1x256xf32>
    %mul3A_23 = vector.broadcast %rsqrt3A : vector<1x256xf32> to vector<10000x256xf32>
    %mul3A_24 = arith.mulf %sub3A_13, %mul3A_23 : vector<10000x256xf32>
    %get3A_25 = arith.constant 0 : index
    %get3A_26 = vector.load %arg4[%get3A_25] : memref<256xf32, #tpu.memory_space<vmem>>, vector<256xf32>
    %broadcast_in_dim3A_27 = vector.shape_cast %get3A_26 : vector<256xf32> to vector<1x256xf32>
    %mul3A_28 = vector.broadcast %broadcast_in_dim3A_27 : vector<1x256xf32> to vector<10000x256xf32>
    %mul3A_29 = arith.mulf %mul3A_24, %mul3A_28 : vector<10000x256xf32>
    %get3A_30 = arith.constant 0 : index
    %get3A_31 = vector.load %arg5[%get3A_30] : memref<256xf32, #tpu.memory_space<vmem>>, vector<256xf32>
    %broadcast_in_dim3A_32 = vector.shape_cast %get3A_31 : vector<256xf32> to vector<1x256xf32>
    %add3A_33 = vector.broadcast %broadcast_in_dim3A_32 : vector<1x256xf32> to vector<10000x256xf32>
    %add3A_34 = arith.addf %mul3A_29, %add3A_33 : vector<10000x256xf32>
    %max3A = arith.constant 0.000000e+00 : f32
    %max3A_35 = vector.broadcast %max3A : f32 to vector<10000x256xf32>
    %max3A_36 = arith.maximumf %add3A_34, %max3A_35 : vector<10000x256xf32>
    %get3A_37 = arith.constant 0 : index
    %get3A_38 = arith.constant 0 : index
    %get3A_39 = vector.load %arg6[%get3A_37, %get3A_38] : memref<256x128xf32, #tpu.memory_space<vmem>>, vector<256x128xf32>
    %dot_general3A_40 = arith.constant dense<0.000000e+00> : vector<10000x128xf32>
    %dot_general3A_41 = tpu.matmul %max3A_36, %get3A_39, %dot_general3A_40 {dimension_numbers = #tpu.dot_dimension_numbers<[1], [0], [0], [1], [0, 0, 1, 1], [], []>, transpose_lhs_hint = false} : vector<10000x256xf32>, vector<256x128xf32>, vector<10000x128xf32> -> vector<10000x128xf32>
    %get3A_42 = arith.constant 0 : index
    %get3A_43 = vector.load %arg7[%get3A_42] : memref<128xf32, #tpu.memory_space<vmem>>, vector<128xf32>
    %broadcast_in_dim3A_44 = vector.shape_cast %get3A_43 : vector<128xf32> to vector<1x128xf32>
    %add3A_45 = vector.broadcast %broadcast_in_dim3A_44 : vector<1x128xf32> to vector<10000x128xf32>
    %add3A_46 = arith.addf %dot_general3A_41, %add3A_45 : vector<10000x128xf32>
    %get3A_47 = arith.constant 0 : index
    %get3A_48 = arith.constant 0 : index
    %get3A_49 = vector.load %arg8[%get3A_47, %get3A_48] : memref<256x256xf32, #tpu.memory_space<vmem>>, vector<256x256xf32>
    %get3A_50 = arith.constant 0 : index
    %get3A_51 = arith.constant 0 : index
    %get3A_52 = vector.load %arg9[%get3A_50, %get3A_51] : memref<256x128xf32, #tpu.memory_space<vmem>>, vector<256x128xf32>
    %dot_general3A_53 = arith.constant dense<0.000000e+00> : vector<256x128xf32>
    %dot_general3A_54 = tpu.matmul %get3A_49, %get3A_52, %dot_general3A_53 {dimension_numbers = #tpu.dot_dimension_numbers<[1], [0], [0], [1], [0, 0, 1, 1], [], []>, transpose_lhs_hint = false} : vector<256x256xf32>, vector<256x128xf32>, vector<256x128xf32> -> vector<256x128xf32>
    %dot_general3A_55 = arith.constant dense<0.000000e+00> : vector<10000x128xf32>
    %dot_general3A_56 = tpu.matmul %max3A_36, %dot_general3A_54, %dot_general3A_55 {dimension_numbers = #tpu.dot_dimension_numbers<[1], [0], [0], [1], [0, 0, 1, 1], [], []>, transpose_lhs_hint = false} : vector<10000x256xf32>, vector<256x128xf32>, vector<10000x128xf32> -> vector<10000x128xf32>
    %swap3A = arith.constant 0 : index
    %swap3A_57 = arith.constant 0 : index
    %swap3A_58 = vector.load %arg16[%swap3A, %swap3A_57] : memref<10000x128xf32, #tpu.memory_space<vmem>>, vector<10000x128xf32>
    tpu.vector_store %arg16[%swap3A, %swap3A_57], %dot_general3A_56 {strides = array<i32>} : memref<10000x128xf32, #tpu.memory_space<vmem>>, vector<10000x128xf32>,
    %get3A_59 = arith.constant 0 : index
    %get3A_60 = arith.constant 0 : index
    %get3A_61 = vector.load %arg14[%get3A_59, %get3A_60] : memref<256x1xf32, #tpu.memory_space<vmem>>, vector<256x1xf32>
    %reshape3A = vector.shape_cast %get3A_61 : vector<256x1xf32> to vector<1x256xf32>
    %get3A_62 = arith.constant 0 : index
    %get3A_63 = arith.constant 0 : index
    %get3A_64 = vector.load %arg1[%get3A_62, %get3A_63] : memref<10000x1xi32, #tpu.memory_space<vmem>>, vector<10000x1xi32>
    %get3A_65 = arith.constant 0 : index
    %get3A_66 = arith.constant 0 : index
    %get3A_67 = vector.load %arg10[%get3A_65, %get3A_66] : memref<128x256xf32, #tpu.memory_space<vmem>>, vector<128x256xf32>
    %get3A_68 = arith.constant 0 : index
    %get3A_69 = vector.load %arg11[%get3A_68] : memref<256xf32, #tpu.memory_space<vmem>>, vector<256xf32>
    %get3A_70 = arith.constant 0 : index
    %get3A_71 = arith.constant 0 : index
    %get3A_72 = vector.load %arg12[%get3A_70, %get3A_71] : memref<128x256xf32, #tpu.memory_space<vmem>>, vector<128x256xf32>
    %get3A_73 = arith.constant 0 : index
    %get3A_74 = vector.load %arg13[%get3A_73] : memref<256xf32, #tpu.memory_space<vmem>>, vector<256xf32>
    %get3A_75 = arith.constant 0 : index
    %get3A_76 = vector.load %arg15[%get3A_75] : memref<1xf32, #tpu.memory_space<vmem>>, vector<1xf32>
    %get3A_77 = vector.extract %get3A_76[0] : f32 from vector<1xf32>
    %dot_general3A_78 = arith.constant dense<0.000000e+00> : vector<10000x256xf32>
    %dot_general3A_79 = tpu.matmul %add3A_46, %get3A_67, %dot_general3A_78 {dimension_numbers = #tpu.dot_dimension_numbers<[1], [0], [0], [1], [0, 0, 1, 1], [], []>, transpose_lhs_hint = false} : vector<10000x128xf32>, vector<128x256xf32>, vector<10000x256xf32> -> vector<10000x256xf32>
    %broadcast_in_dim3A_80 = vector.shape_cast %get3A_69 : vector<256xf32> to vector<1x256xf32>
    %add3A_81 = vector.broadcast %broadcast_in_dim3A_80 : vector<1x256xf32> to vector<10000x256xf32>
    %add3A_82 = arith.addf %dot_general3A_79, %add3A_81 : vector<10000x256xf32>
    %tanh3A = math.tanh %add3A_82 : vector<10000x256xf32>
    %dot_general3A_83 = arith.constant dense<0.000000e+00> : vector<10000x256xf32>
    %dot_general3A_84 = tpu.matmul %add3A_46, %get3A_72, %dot_general3A_83 {dimension_numbers = #tpu.dot_dimension_numbers<[1], [0], [0], [1], [0, 0, 1, 1], [], []>, transpose_lhs_hint = false} : vector<10000x128xf32>, vector<128x256xf32>, vector<10000x256xf32> -> vector<10000x256xf32>
    %broadcast_in_dim3A_85 = vector.shape_cast %get3A_74 : vector<256xf32> to vector<1x256xf32>
    %add3A_86 = vector.broadcast %broadcast_in_dim3A_85 : vector<1x256xf32> to vector<10000x256xf32>
    %add3A_87 = arith.addf %dot_general3A_84, %add3A_86 : vector<10000x256xf32>
    %logistic3A = arith.negf %add3A_87 : vector<10000x256xf32>
    %logistic3A_88 = math.exp %logistic3A : vector<10000x256xf32>
    %logistic3A_89 = arith.constant 1.000000e+00 : f32
    %logistic3A_90 = vector.broadcast %logistic3A_89 : f32 to vector<10000x256xf32>
    %logistic3A_91 = arith.addf %logistic3A_90, %logistic3A_88 : vector<10000x256xf32>
    %logistic3A_92 = arith.divf %logistic3A_90, %logistic3A_91 : vector<10000x256xf32>
    %mul3A_93 = arith.mulf %tanh3A, %logistic3A_92 : vector<10000x256xf32>
    %mul3A_94 = vector.broadcast %reshape3A : vector<1x256xf32> to vector<10000x256xf32>
    %mul3A_95 = arith.mulf %mul3A_93, %mul3A_94 : vector<10000x256xf32>
    %reduce_sum3A_96 = arith.constant dense<0.000000e+00> : vector<10000xf32>
    %reduce_sum3A_97 = vector.multi_reduction <add>, %mul3A_95, %reduce_sum3A_96 [1] : vector<10000x256xf32> to vector<10000xf32>
    %broadcast_in_dim3A_98 = vector.shape_cast %reduce_sum3A_97 : vector<10000xf32> to vector<10000x1xf32>
    %add3A_99 = vector.broadcast %get3A_77 : f32 to vector<10000x1xf32>
    %add3A_100 = arith.addf %broadcast_in_dim3A_98, %add3A_99 : vector<10000x1xf32>
    %iota3A = tpu.iota {dimensions = array<i32: 1>} : vector<10000x8xi32>
    %eq3A = vector.broadcast %get3A_64 : vector<10000x1xi32> to vector<10000x8xi32>
    %eq3A_101 = arith.cmpi eq, %eq3A, %iota3A : vector<10000x8xi32>
    %jit3A = arith.constant -1.000000e+30 : f32
    %broadcast_in_dim3A_102 = vector.shape_cast %add3A_100 : vector<10000x1xf32> to vector<10000x1xf32>
    %broadcast_in_dim3A_103 = vector.broadcast %broadcast_in_dim3A_102 : vector<10000x1xf32> to vector<10000x8xf32>
    %broadcast_in_dim3A_104 = vector.broadcast %jit3A : f32 to vector<10000x8xf32>
    %select_n3A = arith.select %eq3A_101, %broadcast_in_dim3A_103, %broadcast_in_dim3A_104 : vector<10000x8xi1>, vector<10000x8xf32>
    %reduce_max3A = arith.constant dense<0xFF800000> : vector<8xf32>
    %reduce_max3A_105 = vector.multi_reduction <maximumf>, %select_n3A, %reduce_max3A [0] : vector<10000x8xf32> to vector<8xf32>
    %broadcast_in_dim3A_106 = vector.shape_cast %reduce_max3A_105 : vector<8xf32> to vector<1x8xf32>
    %jit3A_107 = arith.constant 0.000000e+00 : f32
    %broadcast_in_dim3A_108 = vector.shape_cast %broadcast_in_dim3A_106 : vector<1x8xf32> to vector<1x8xf32>
    %broadcast_in_dim3A_109 = vector.broadcast %broadcast_in_dim3A_108 : vector<1x8xf32> to vector<10000x8xf32>
    %broadcast_in_dim3A_110 = vector.broadcast %jit3A_107 : f32 to vector<10000x8xf32>
    %select_n3A_111 = arith.select %eq3A_101, %broadcast_in_dim3A_109, %broadcast_in_dim3A_110 : vector<10000x8xi1>, vector<10000x8xf32>
    %reduce_sum3A_112 = arith.constant dense<0.000000e+00> : vector<10000xf32>
    %reduce_sum3A_113 = vector.multi_reduction <add>, %select_n3A_111, %reduce_sum3A_112 [1] : vector<10000x8xf32> to vector<10000xf32>
    %broadcast_in_dim3A_114 = vector.shape_cast %reduce_sum3A_113 : vector<10000xf32> to vector<10000x1xf32>
    %sub3A_115 = arith.subf %add3A_100, %broadcast_in_dim3A_114 : vector<10000x1xf32>
    %exp3A = math.exp %sub3A_115 : vector<10000x1xf32>
    %jit3A_116 = arith.constant 0.000000e+00 : f32
    %broadcast_in_dim3A_117 = vector.shape_cast %exp3A : vector<10000x1xf32> to vector<10000x1xf32>
    %broadcast_in_dim3A_118 = vector.broadcast %broadcast_in_dim3A_117 : vector<10000x1xf32> to vector<10000x8xf32>
    %broadcast_in_dim3A_119 = vector.broadcast %jit3A_116 : f32 to vector<10000x8xf32>
    %select_n3A_120 = arith.select %eq3A_101, %broadcast_in_dim3A_118, %broadcast_in_dim3A_119 : vector<10000x8xi1>, vector<10000x8xf32>
    %reduce_sum3A_121 = arith.constant dense<0.000000e+00> : vector<8xf32>
    %reduce_sum3A_122 = vector.multi_reduction <add>, %select_n3A_120, %reduce_sum3A_121 [0] : vector<10000x8xf32> to vector<8xf32>
    %gt3A = arith.constant 0.000000e+00 : f32
    %gt3A_123 = vector.broadcast %gt3A : f32 to vector<8xf32>
    %gt3A_124 = arith.cmpf ogt, %reduce_sum3A_122, %gt3A_123 : vector<8xf32>
    %jit3A_125 = arith.constant 1.000000e+00 : f32
    %broadcast_in_dim3A_126 = vector.broadcast %jit3A_125 : f32 to vector<8xf32>
    %select_n3A_127 = arith.select %gt3A_124, %reduce_sum3A_122, %broadcast_in_dim3A_126 : vector<8xi1>, vector<8xf32>
    %dot_general3A_128 = arith.constant dense<0.000000e+00> : vector<8x128xf32>
    %dot_general3A_129 = tpu.matmul %select_n3A_120, %add3A_46, %dot_general3A_128 {dimension_numbers = #tpu.dot_dimension_numbers<[0], [0], [1], [1], [0, 1, 1, 1], [], []>, transpose_lhs_hint = false} : vector<10000x8xf32>, vector<10000x128xf32>, vector<8x128xf32> -> vector<8x128xf32>
    %broadcast_in_dim3A_130 = vector.shape_cast %select_n3A_127 : vector<8xf32> to vector<8x1xf32>
    %div3A_131 = vector.broadcast %broadcast_in_dim3A_130 : vector<8x1xf32> to vector<8x128xf32>
    %div3A_132 = arith.divf %dot_general3A_129, %div3A_131 : vector<8x128xf32>
    %swap3A_133 = arith.constant 0 : index
    %swap3A_134 = arith.constant 0 : index
    %swap3A_135 = vector.load %arg17[%swap3A_133, %swap3A_134] : memref<8x128xf32, #tpu.memory_space<vmem>>, vector<8x128xf32>
    tpu.vector_store %arg17[%swap3A_133, %swap3A_134], %div3A_132 {strides = array<i32>} : memref<8x128xf32, #tpu.memory_space<vmem>>, vector<8x128xf32>,
    return
  }
}

module attributes {stable_mosaic.version = 14 : i64} {
  func.func @_tcdeg_body(%arg0: memref<32x10240xf32, #tpu.memory_space<vmem>>, %arg1: memref<1x10240xf32, #tpu.memory_space<vmem>>) attributes {dimension_semantics = [], scalar_prefetch = 0 : i64, scratch_operands = 0 : i64, tpu.core_type = #tpu.core_type<tc>} {
    %get3A = arith.constant 0 : index
    %get3A_0 = arith.constant 0 : index
    %get3A_1 = vector.load %arg0[%get3A, %get3A_0] : memref<32x10240xf32, #tpu.memory_space<vmem>>, vector<32x10240xf32>
    %reduce_sum3A = arith.constant dense<0.000000e+00> : vector<10240xf32>
    %reduce_sum3A_2 = vector.multi_reduction <add>, %get3A_1, %reduce_sum3A [0] : vector<32x10240xf32> to vector<10240xf32>
    %broadcast_in_dim3A = vector.shape_cast %reduce_sum3A_2 : vector<10240xf32> to vector<1x10240xf32>
    %gt3A = arith.constant 0.000000e+00 : f32
    %gt3A_3 = vector.broadcast %gt3A : f32 to vector<1x10240xf32>
    %gt3A_4 = arith.cmpf ogt, %broadcast_in_dim3A, %gt3A_3 : vector<1x10240xf32>
    %div3A = arith.constant 1.000000e+00 : f32
    %div3A_5 = vector.broadcast %div3A : f32 to vector<1x10240xf32>
    %div3A_6 = arith.divf %div3A_5, %broadcast_in_dim3A : vector<1x10240xf32>
    %jit3A = arith.constant 0.000000e+00 : f32
    %broadcast_in_dim3A_7 = vector.broadcast %jit3A : f32 to vector<1x10240xf32>
    %select_n3A = arith.select %gt3A_4, %div3A_6, %broadcast_in_dim3A_7 : vector<1x10240xi1>, vector<1x10240xf32>
    %swap3A = arith.constant 0 : index
    %swap3A_8 = arith.constant 0 : index
    %swap3A_9 = vector.load %arg1[%swap3A, %swap3A_8] : memref<1x10240xf32, #tpu.memory_space<vmem>>, vector<1x10240xf32>
    tpu.vector_store %arg1[%swap3A, %swap3A_8], %select_n3A {strides = array<i32>} : memref<1x10240xf32, #tpu.memory_space<vmem>>, vector<1x10240xf32>,
    return
  }
}

module attributes {stable_mosaic.version = 14 : i64} {
  func.func @_tccomb_body(%arg0: memref<2x10000x128xf32, #tpu.memory_space<vmem>>, %arg1: memref<10000x1xf32, #tpu.memory_space<vmem>>, %arg2: memref<10000x128xf32, #tpu.memory_space<vmem>>) attributes {dimension_semantics = [], scalar_prefetch = 0 : i64, scratch_operands = 0 : i64, tpu.core_type = #tpu.core_type<tc>} {
    %get3A = arith.constant 0 : index
    %get3A_0 = arith.constant 0 : index
    %get3A_1 = vector.load %arg1[%get3A, %get3A_0] : memref<10000x1xf32, #tpu.memory_space<vmem>>, vector<10000x1xf32>
    %get3A_2 = arith.constant 0 : index
    %get3A_3 = arith.constant 0 : index
    %get3A_4 = arith.constant 0 : index
    %get3A_5 = vector.load %arg0[%get3A_2, %get3A_3, %get3A_4] : memref<2x10000x128xf32, #tpu.memory_space<vmem>>, vector<1x10000x128xf32>
    %get3A_6 = vector.shape_cast %get3A_5 : vector<1x10000x128xf32> to vector<10000x128xf32>
    %get3A_7 = arith.constant 1 : index
    %get3A_8 = arith.constant 0 : index
    %get3A_9 = arith.constant 0 : index
    %get3A_10 = vector.load %arg0[%get3A_7, %get3A_8, %get3A_9] : memref<2x10000x128xf32, #tpu.memory_space<vmem>>, vector<1x10000x128xf32>
    %get3A_11 = vector.shape_cast %get3A_10 : vector<1x10000x128xf32> to vector<10000x128xf32>
    %add3A = arith.addf %get3A_6, %get3A_11 : vector<10000x128xf32>
    %mul3A = vector.broadcast %get3A_1 : vector<10000x1xf32> to vector<10000x128xf32>
    %mul3A_12 = arith.mulf %mul3A, %add3A : vector<10000x128xf32>
    %swap3A = arith.constant 0 : index
    %swap3A_13 = arith.constant 0 : index
    %swap3A_14 = vector.load %arg2[%swap3A, %swap3A_13] : memref<10000x128xf32, #tpu.memory_space<vmem>>, vector<10000x128xf32>
    tpu.vector_store %arg2[%swap3A, %swap3A_13], %mul3A_12 {strides = array<i32>} : memref<10000x128xf32, #tpu.memory_space<vmem>>, vector<10000x128xf32>,
    return
  }
}

module attributes {stable_mosaic.version = 14 : i64} {
  func.func @_tcsum_body(%arg0: memref<32x10240xf32, #tpu.memory_space<vmem>>, %arg1: memref<1x10240xf32, #tpu.memory_space<vmem>>) attributes {dimension_semantics = [], scalar_prefetch = 0 : i64, scratch_operands = 0 : i64, tpu.core_type = #tpu.core_type<tc>} {
    %get3A = arith.constant 0 : index
    %get3A_0 = arith.constant 0 : index
    %get3A_1 = vector.load %arg0[%get3A, %get3A_0] : memref<32x10240xf32, #tpu.memory_space<vmem>>, vector<32x10240xf32>
    %reduce_sum3A = arith.constant dense<0.000000e+00> : vector<10240xf32>
    %reduce_sum3A_2 = vector.multi_reduction <add>, %get3A_1, %reduce_sum3A [0] : vector<32x10240xf32> to vector<10240xf32>
    %broadcast_in_dim3A = vector.shape_cast %reduce_sum3A_2 : vector<10240xf32> to vector<1x10240xf32>
    %swap3A = arith.constant 0 : index
    %swap3A_3 = arith.constant 0 : index
    %swap3A_4 = vector.load %arg1[%swap3A, %swap3A_3] : memref<1x10240xf32, #tpu.memory_space<vmem>>, vector<1x10240xf32>
    tpu.vector_store %arg1[%swap3A, %swap3A_3], %broadcast_in_dim3A {strides = array<i32>} : memref<1x10240xf32, #tpu.memory_space<vmem>>, vector<1x10240xf32>,
    return
  }
}

module attributes {stable_mosaic.version = 14 : i64} {
  func.func @_tc2_body(%arg0: memref<2x10000x128xf32, #tpu.memory_space<vmem>>, %arg1: memref<10000x1xf32, #tpu.memory_space<vmem>>, %arg2: memref<10000x1xi32, #tpu.memory_space<vmem>>, %arg3: memref<256xf32, #tpu.memory_space<vmem>>, %arg4: memref<256x128xf32, #tpu.memory_space<vmem>>, %arg5: memref<128xf32, #tpu.memory_space<vmem>>, %arg6: memref<128x256xf32, #tpu.memory_space<vmem>>, %arg7: memref<256xf32, #tpu.memory_space<vmem>>, %arg8: memref<128x256xf32, #tpu.memory_space<vmem>>, %arg9: memref<256xf32, #tpu.memory_space<vmem>>, %arg10: memref<256x1xf32, #tpu.memory_space<vmem>>, %arg11: memref<1xf32, #tpu.memory_space<vmem>>, %arg12: memref<8x128xf32, #tpu.memory_space<vmem>>, %arg13: memref<8x128xf32, #tpu.memory_space<vmem>>) attributes {dimension_semantics = [], scalar_prefetch = 0 : i64, scratch_operands = 0 : i64, tpu.core_type = #tpu.core_type<tc>} {
    %get3A = arith.constant 0 : index
    %get3A_0 = arith.constant 0 : index
    %get3A_1 = arith.constant 0 : index
    %get3A_2 = vector.load %arg0[%get3A, %get3A_0, %get3A_1] : memref<2x10000x128xf32, #tpu.memory_space<vmem>>, vector<1x10000x128xf32>
    %get3A_3 = vector.shape_cast %get3A_2 : vector<1x10000x128xf32> to vector<10000x128xf32>
    %get3A_4 = arith.constant 1 : index
    %get3A_5 = arith.constant 0 : index
    %get3A_6 = arith.constant 0 : index
    %get3A_7 = vector.load %arg0[%get3A_4, %get3A_5, %get3A_6] : memref<2x10000x128xf32, #tpu.memory_space<vmem>>, vector<1x10000x128xf32>
    %get3A_8 = vector.shape_cast %get3A_7 : vector<1x10000x128xf32> to vector<10000x128xf32>
    %add3A = arith.addf %get3A_3, %get3A_8 : vector<10000x128xf32>
    %get3A_9 = arith.constant 0 : index
    %get3A_10 = arith.constant 0 : index
    %get3A_11 = vector.load %arg1[%get3A_9, %get3A_10] : memref<10000x1xf32, #tpu.memory_space<vmem>>, vector<10000x1xf32>
    %gt3A = arith.constant 0.000000e+00 : f32
    %gt3A_12 = vector.broadcast %gt3A : f32 to vector<10000x1xf32>
    %gt3A_13 = arith.cmpf ogt, %get3A_11, %gt3A_12 : vector<10000x1xf32>
    %div3A = arith.constant 1.000000e+00 : f32
    %div3A_14 = vector.broadcast %div3A : f32 to vector<10000x1xf32>
    %div3A_15 = arith.divf %div3A_14, %get3A_11 : vector<10000x1xf32>
    %jit3A = arith.constant 0.000000e+00 : f32
    %broadcast_in_dim3A = vector.broadcast %jit3A : f32 to vector<10000x1xf32>
    %select_n3A = arith.select %gt3A_13, %div3A_15, %broadcast_in_dim3A : vector<10000x1xi1>, vector<10000x1xf32>
    %get3A_16 = arith.constant 0 : index
    %get3A_17 = vector.load %arg3[%get3A_16] : memref<256xf32, #tpu.memory_space<vmem>>, vector<256xf32>
    %broadcast_in_dim3A_18 = vector.shape_cast %get3A_17 : vector<256xf32> to vector<1x256xf32>
    %get3A_19 = arith.constant 0 : index
    %get3A_20 = arith.constant 0 : index
    %get3A_21 = vector.load %arg4[%get3A_19, %get3A_20] : memref<256x128xf32, #tpu.memory_space<vmem>>, vector<256x128xf32>
    %dot_general3A = arith.constant dense<0.000000e+00> : vector<1x128xf32>
    %dot_general3A_22 = tpu.matmul %broadcast_in_dim3A_18, %get3A_21, %dot_general3A {dimension_numbers = #tpu.dot_dimension_numbers<[1], [0], [0], [1], [0, 0, 1, 1], [], []>, transpose_lhs_hint = false} : vector<1x256xf32>, vector<256x128xf32>, vector<1x128xf32> -> vector<1x128xf32>
    %get3A_23 = arith.constant 0 : index
    %get3A_24 = vector.load %arg5[%get3A_23] : memref<128xf32, #tpu.memory_space<vmem>>, vector<128xf32>
    %broadcast_in_dim3A_25 = vector.shape_cast %get3A_24 : vector<128xf32> to vector<1x128xf32>
    %add3A_26 = arith.addf %dot_general3A_22, %broadcast_in_dim3A_25 : vector<1x128xf32>
    %mul3A = vector.broadcast %select_n3A : vector<10000x1xf32> to vector<10000x128xf32>
    %mul3A_27 = arith.mulf %mul3A, %add3A : vector<10000x128xf32>
    %add3A_28 = vector.broadcast %add3A_26 : vector<1x128xf32> to vector<10000x128xf32>
    %add3A_29 = arith.addf %mul3A_27, %add3A_28 : vector<10000x128xf32>
    %get3A_30 = arith.constant 0 : index
    %get3A_31 = arith.constant 0 : index
    %get3A_32 = vector.load %arg10[%get3A_30, %get3A_31] : memref<256x1xf32, #tpu.memory_space<vmem>>, vector<256x1xf32>
    %reshape3A = vector.shape_cast %get3A_32 : vector<256x1xf32> to vector<1x256xf32>
    %get3A_33 = arith.constant 0 : index
    %get3A_34 = arith.constant 0 : index
    %get3A_35 = vector.load %arg2[%get3A_33, %get3A_34] : memref<10000x1xi32, #tpu.memory_space<vmem>>, vector<10000x1xi32>
    %get3A_36 = arith.constant 0 : index
    %get3A_37 = arith.constant 0 : index
    %get3A_38 = vector.load %arg6[%get3A_36, %get3A_37] : memref<128x256xf32, #tpu.memory_space<vmem>>, vector<128x256xf32>
    %get3A_39 = arith.constant 0 : index
    %get3A_40 = vector.load %arg7[%get3A_39] : memref<256xf32, #tpu.memory_space<vmem>>, vector<256xf32>
    %get3A_41 = arith.constant 0 : index
    %get3A_42 = arith.constant 0 : index
    %get3A_43 = vector.load %arg8[%get3A_41, %get3A_42] : memref<128x256xf32, #tpu.memory_space<vmem>>, vector<128x256xf32>
    %get3A_44 = arith.constant 0 : index
    %get3A_45 = vector.load %arg9[%get3A_44] : memref<256xf32, #tpu.memory_space<vmem>>, vector<256xf32>
    %get3A_46 = arith.constant 0 : index
    %get3A_47 = vector.load %arg11[%get3A_46] : memref<1xf32, #tpu.memory_space<vmem>>, vector<1xf32>
    %get3A_48 = vector.extract %get3A_47[0] : f32 from vector<1xf32>
    %dot_general3A_49 = arith.constant dense<0.000000e+00> : vector<10000x256xf32>
    %dot_general3A_50 = tpu.matmul %add3A_29, %get3A_38, %dot_general3A_49 {dimension_numbers = #tpu.dot_dimension_numbers<[1], [0], [0], [1], [0, 0, 1, 1], [], []>, transpose_lhs_hint = false} : vector<10000x128xf32>, vector<128x256xf32>, vector<10000x256xf32> -> vector<10000x256xf32>
    %broadcast_in_dim3A_51 = vector.shape_cast %get3A_40 : vector<256xf32> to vector<1x256xf32>
    %add3A_52 = vector.broadcast %broadcast_in_dim3A_51 : vector<1x256xf32> to vector<10000x256xf32>
    %add3A_53 = arith.addf %dot_general3A_50, %add3A_52 : vector<10000x256xf32>
    %tanh3A = math.tanh %add3A_53 : vector<10000x256xf32>
    %dot_general3A_54 = arith.constant dense<0.000000e+00> : vector<10000x256xf32>
    %dot_general3A_55 = tpu.matmul %add3A_29, %get3A_43, %dot_general3A_54 {dimension_numbers = #tpu.dot_dimension_numbers<[1], [0], [0], [1], [0, 0, 1, 1], [], []>, transpose_lhs_hint = false} : vector<10000x128xf32>, vector<128x256xf32>, vector<10000x256xf32> -> vector<10000x256xf32>
    %broadcast_in_dim3A_56 = vector.shape_cast %get3A_45 : vector<256xf32> to vector<1x256xf32>
    %add3A_57 = vector.broadcast %broadcast_in_dim3A_56 : vector<1x256xf32> to vector<10000x256xf32>
    %add3A_58 = arith.addf %dot_general3A_55, %add3A_57 : vector<10000x256xf32>
    %logistic3A = arith.negf %add3A_58 : vector<10000x256xf32>
    %logistic3A_59 = math.exp %logistic3A : vector<10000x256xf32>
    %logistic3A_60 = arith.constant 1.000000e+00 : f32
    %logistic3A_61 = vector.broadcast %logistic3A_60 : f32 to vector<10000x256xf32>
    %logistic3A_62 = arith.addf %logistic3A_61, %logistic3A_59 : vector<10000x256xf32>
    %logistic3A_63 = arith.divf %logistic3A_61, %logistic3A_62 : vector<10000x256xf32>
    %mul3A_64 = arith.mulf %tanh3A, %logistic3A_63 : vector<10000x256xf32>
    %mul3A_65 = vector.broadcast %reshape3A : vector<1x256xf32> to vector<10000x256xf32>
    %mul3A_66 = arith.mulf %mul3A_64, %mul3A_65 : vector<10000x256xf32>
    %reduce_sum3A = arith.constant dense<0.000000e+00> : vector<10000xf32>
    %reduce_sum3A_67 = vector.multi_reduction <add>, %mul3A_66, %reduce_sum3A [1] : vector<10000x256xf32> to vector<10000xf32>
    %broadcast_in_dim3A_68 = vector.shape_cast %reduce_sum3A_67 : vector<10000xf32> to vector<10000x1xf32>
    %add3A_69 = vector.broadcast %get3A_48 : f32 to vector<10000x1xf32>
    %add3A_70 = arith.addf %broadcast_in_dim3A_68, %add3A_69 : vector<10000x1xf32>
    %iota3A = tpu.iota {dimensions = array<i32: 1>} : vector<10000x8xi32>
    %eq3A = vector.broadcast %get3A_35 : vector<10000x1xi32> to vector<10000x8xi32>
    %eq3A_71 = arith.cmpi eq, %eq3A, %iota3A : vector<10000x8xi32>
    %jit3A_72 = arith.constant -1.000000e+30 : f32
    %broadcast_in_dim3A_73 = vector.shape_cast %add3A_70 : vector<10000x1xf32> to vector<10000x1xf32>
    %broadcast_in_dim3A_74 = vector.broadcast %broadcast_in_dim3A_73 : vector<10000x1xf32> to vector<10000x8xf32>
    %broadcast_in_dim3A_75 = vector.broadcast %jit3A_72 : f32 to vector<10000x8xf32>
    %select_n3A_76 = arith.select %eq3A_71, %broadcast_in_dim3A_74, %broadcast_in_dim3A_75 : vector<10000x8xi1>, vector<10000x8xf32>
    %reduce_max3A = arith.constant dense<0xFF800000> : vector<8xf32>
    %reduce_max3A_77 = vector.multi_reduction <maximumf>, %select_n3A_76, %reduce_max3A [0] : vector<10000x8xf32> to vector<8xf32>
    %broadcast_in_dim3A_78 = vector.shape_cast %reduce_max3A_77 : vector<8xf32> to vector<1x8xf32>
    %jit3A_79 = arith.constant 0.000000e+00 : f32
    %broadcast_in_dim3A_80 = vector.shape_cast %broadcast_in_dim3A_78 : vector<1x8xf32> to vector<1x8xf32>
    %broadcast_in_dim3A_81 = vector.broadcast %broadcast_in_dim3A_80 : vector<1x8xf32> to vector<10000x8xf32>
    %broadcast_in_dim3A_82 = vector.broadcast %jit3A_79 : f32 to vector<10000x8xf32>
    %select_n3A_83 = arith.select %eq3A_71, %broadcast_in_dim3A_81, %broadcast_in_dim3A_82 : vector<10000x8xi1>, vector<10000x8xf32>
    %reduce_sum3A_84 = arith.constant dense<0.000000e+00> : vector<10000xf32>
    %reduce_sum3A_85 = vector.multi_reduction <add>, %select_n3A_83, %reduce_sum3A_84 [1] : vector<10000x8xf32> to vector<10000xf32>
    %broadcast_in_dim3A_86 = vector.shape_cast %reduce_sum3A_85 : vector<10000xf32> to vector<10000x1xf32>
    %sub3A = arith.subf %add3A_70, %broadcast_in_dim3A_86 : vector<10000x1xf32>
    %exp3A = math.exp %sub3A : vector<10000x1xf32>
    %jit3A_87 = arith.constant 0.000000e+00 : f32
    %broadcast_in_dim3A_88 = vector.shape_cast %exp3A : vector<10000x1xf32> to vector<10000x1xf32>
    %broadcast_in_dim3A_89 = vector.broadcast %broadcast_in_dim3A_88 : vector<10000x1xf32> to vector<10000x8xf32>
    %broadcast_in_dim3A_90 = vector.broadcast %jit3A_87 : f32 to vector<10000x8xf32>
    %select_n3A_91 = arith.select %eq3A_71, %broadcast_in_dim3A_89, %broadcast_in_dim3A_90 : vector<10000x8xi1>, vector<10000x8xf32>
    %reduce_sum3A_92 = arith.constant dense<0.000000e+00> : vector<8xf32>
    %reduce_sum3A_93 = vector.multi_reduction <add>, %select_n3A_91, %reduce_sum3A_92 [0] : vector<10000x8xf32> to vector<8xf32>
    %gt3A_94 = arith.constant 0.000000e+00 : f32
    %gt3A_95 = vector.broadcast %gt3A_94 : f32 to vector<8xf32>
    %gt3A_96 = arith.cmpf ogt, %reduce_sum3A_93, %gt3A_95 : vector<8xf32>
    %jit3A_97 = arith.constant 1.000000e+00 : f32
    %broadcast_in_dim3A_98 = vector.broadcast %jit3A_97 : f32 to vector<8xf32>
    %select_n3A_99 = arith.select %gt3A_96, %reduce_sum3A_93, %broadcast_in_dim3A_98 : vector<8xi1>, vector<8xf32>
    %dot_general3A_100 = arith.constant dense<0.000000e+00> : vector<8x128xf32>
    %dot_general3A_101 = tpu.matmul %select_n3A_91, %add3A_29, %dot_general3A_100 {dimension_numbers = #tpu.dot_dimension_numbers<[0], [0], [1], [1], [0, 1, 1, 1], [], []>, transpose_lhs_hint = false} : vector<10000x8xf32>, vector<10000x128xf32>, vector<8x128xf32> -> vector<8x128xf32>
    %broadcast_in_dim3A_102 = vector.shape_cast %select_n3A_99 : vector<8xf32> to vector<8x1xf32>
    %div3A_103 = vector.broadcast %broadcast_in_dim3A_102 : vector<8x1xf32> to vector<8x128xf32>
    %div3A_104 = arith.divf %dot_general3A_101, %div3A_103 : vector<8x128xf32>
    %get3A_105 = arith.constant 0 : index
    %get3A_106 = arith.constant 0 : index
    %get3A_107 = vector.load %arg12[%get3A_105, %get3A_106] : memref<8x128xf32, #tpu.memory_space<vmem>>, vector<8x128xf32>
    %add3A_108 = arith.addf %get3A_107, %div3A_104 : vector<8x128xf32>
    %swap3A = arith.constant 0 : index
    %swap3A_109 = arith.constant 0 : index
    %swap3A_110 = vector.load %arg13[%swap3A, %swap3A_109] : memref<8x128xf32, #tpu.memory_space<vmem>>, vector<8x128xf32>
    tpu.vector_store %arg13[%swap3A, %swap3A_109], %add3A_108 {strides = array<i32>} : memref<8x128xf32, #tpu.memory_space<vmem>>, vector<8x128xf32>,
    return
  }
}

</mosaic_0001>

<sc_bundles>
// kernel: kernel.12.cloned.1.call-start
scs
__scs_entry_jumppad:
0x0: {  	(pc) =	sbr.rel $0x88, $3  }
0x1: {  	(tag) =	ssettag $0x0;
	lr =	simm.s32 $0x1  }
0x2: {  	[smem:$0x3F8E] =	sst lr;
	_ =	strace $0xD0000000  }
0x3: {  	_ = 	snop  }
0x4: {  	_ = 	snop  }
0x5: {  	_ = 	snop  }
0x6: {  	_ = 	snop  }
0x7: {  	_ = 	snop  }
__scs_overlays_trampoline_lowered:
0x8: {  	[smem:$0x3F9D] =	sst s0  }
0x9: {  	[smem:$0x3F9E] =	sst s1  }
0xa: {  	[smem:$0x3F9F] =	sst s2  }
0xb: {  	[smem:$0x3FA0] =	sst s3  }
0xc: {  	[smem:$0x3FA1] =	sst s4  }
0xd: {  	[smem:$0x3FA2] =	sst s5  }
0xe: {  	[smem:$0x3FA3] =	sst s6  }
0xf: {  	[smem:$0x3FA4] =	sst s7  }
0x10: {  	[smem:$0x3FA5] =	sst s8  }
0x11: {  	[smem:$0x3FA6] =	sst s9;
	s0 =	simm.s32 @!p0 $0x0  }
0x12: {  	s1 =	sld [smem:$0x3F8C];
	s0 =	simm.s32 @p0 $0x1  }
0x13: {  	[smem:$0x3FA7] =	sst s0;
	s0 =	simm.s32 @!p1 $0x0  }
0x14: {  	s2 =	sld [smem:$0x3F8B];
	s0 =	simm.s32 @p1 $0x1  }
0x15: {  	[smem:$0x3FA8] =	sst s0;
	s0 =	simm.s32 @!p2 $0x0  }
0x16: {  	s3 =	sld [smem:$0x3FDB];
	s0 =	simm.s32 @p2 $0x1  }
0x17: {  	s4 =	simm.s32 $0x1BF5;
	[smem:$0x3FAA] =	sst s0  }
0x18: {  	s0 =	sld [smem:$0x3F8D];
	_ =	swait.ge [sflag:s4], $0x0  }
0x19: {  	s7 =	sld [smem:$0x3F8E]  }
0x1a: {  	s8 =	sadd.s32 $0xFFFFE003, lr  }
0x1b: {  	s9 =	sadd.s32 $0xFFFFFEF7, lr;
	s5 =	simm.s32 $0xFFFFFFFF;
	p2 =	slt.u32 s8, $0xFFFFF086  }
0x1c: {  	p1 =	slt.u32 s9, $0xF7A;
	s5 =	simm.s32 @!p2 $0x0  }
0x1d: {  	s5 =	simm.s32 @p1 $0x1;
	p0 =	seq.s32 s7, s2  }
0x1e: {  	s7 =	smul.u32 @!p0 $0xF7A, s2;
	p2 =	seq.s32 @!p0 s5, $0x0  }
0x1f: {  	s9 =	smul.u32 $0xF7A, s1;
	s8 =	simm.s32 @!p0 $0x1BF5;
	p2 =	por !p2, p0  }
0x20: {  	[sflag:s8] =	ssyncset.s32 @!p0 $0xFFFFF086;
	s6 =	sadd.s32 @!p0 s3, s7;
	s7 =	simm.s32 @!p0 $0x108  }
0x21: {  	s3 =	sadd.s32 s3, s9;
	s6 =	sadd.s32 @!p0 $0x88, s6;
	s7 =	simm.s32 @p2 $0x1082  }
0x22: {  	[simem:s7], [sflag:s8] =	dma.local @!p0 [hbm:s6], $0xF7A  }
0x23: {  	s9 =	sor.u32 $0xD0000000, s2;
	s6 =	simm.s32 $0x108;
	_ =	swait.ge @!p0 [sflag:s8], $0x0  }
0x24: {  	s3 =	sadd.s32 $0x88, s3;
	s6 =	simm.s32 @!p1 $0x1082;
	[sflag:s4] =	ssyncset.s32 $0xFFFFF086  }
0x25: {  	[simem:s6], [sflag:s4] =	dma.local [hbm:s3], $0xF7A  }
0x26: {  	[smem:$0x3F8E] =	sst s1;
	(tag) =	ssettag s2;
	_ =	strace s9  }
0x27: {  	s1 =	sld [smem:$0x3F9E]  }
0x28: {  	s2 =	sld [smem:$0x3F9F]  }
0x29: {  	s4 =	sld [smem:$0x3FA1]  }
0x2a: {  	p0 =	seq.s32 s5, $0x0;
	s5 =	sld [smem:$0x3FA2]  }
0x2b: {  	s6 =	sld [smem:$0x3FA3]  }
0x2c: {  	s7 =	sld [smem:$0x3FA4]  }
0x2d: {  	s3 =	simm.s32 $0x108;
	s8 =	sld [smem:$0x3FA5]  }
0x2e: {  	s3 =	simm.s32 @!p0 $0x1082;
	s9 =	sld [smem:$0x3FA6]  }
0x2f: {  	lr =	sadd.s32 s0, s3;
	s0 =	sld [smem:$0x3F9D]  }
0x30: {  	s3 =	sld [smem:$0x3FA0]  }
0x31: {  	[smem:$0x3FA9] =	sst s10  }
0x32: {  	s10 =	sld [smem:$0x3FA7];
	_ =	sdelay $0x3  }
0x33: {  	p0 =	seq.s32 s10, $0x1;
	s10 =	sld [smem:$0x3FA9];
	_ =	sdelay $0x3  }
0x34: {  	[smem:$0x3FA9] =	sst s10  }
0x35: {  	s10 =	sld [smem:$0x3FA8];
	_ =	sdelay $0x3  }
0x36: {  	p1 =	seq.s32 s10, $0x1;
	s10 =	sld [smem:$0x3FA9];
	_ =	sdelay $0x3  }
0x37: {  	[smem:$0x3FA9] =	sst s10  }
0x38: {  	s10 =	sld [smem:$0x3FAA]  }
0x39: {  	_ = 	snop;
	(pc) =	sbr.ind lr, $3  }
0x3a: {  	_ = 	snop  }
0x3b: {  	_ = 	snop  }
0x3c: {  	p2 =	seq.s32 s10, $0x1;
	s10 =	sld [smem:$0x3FA9]  }
0x3d: {  	_ =	shalt  }
0x3e: {  	_ =	shalt  }
0x3f: {  	_ =	shalt  }
0x40: {  	_ =	shalt  }
0x41: {  	_ =	shalt  }
0x42: {  	_ =	shalt  }
0x43: {  	_ =	shalt  }
0x44: {  	_ =	shalt  }
0x45: {  	_ =	shalt  }
0x46: {  	_ =	shalt  }
0x47: {  	_ =	shalt  }
0x48: {  	_ =	shalt  }
0x49: {  	_ =	shalt  }
0x4a: {  	_ =	shalt  }
0x4b: {  	_ =	shalt  }
0x4c: {  	_ =	shalt  }
0x4d: {  	_ =	shalt  }
0x4e: {  	_ =	shalt  }
0x4f: {  	_ =	shalt  }
0x50: {  	_ =	shalt  }
0x51: {  	_ =	shalt  }
0x52: {  	_ =	shalt  }
0x53: {  	_ =	shalt  }
0x54: {  	_ =	shalt  }
0x55: {  	_ =	shalt  }
0x56: {  	_ =	shalt  }
0x57: {  	_ =	shalt  }
0x58: {  	_ =	shalt  }
0x59: {  	_ =	shalt  }
0x5a: {  	_ =	shalt  }
0x5b: {  	_ =	shalt  }
0x5c: {  	_ =	shalt  }
0x5d: {  	_ =	shalt  }
0x5e: {  	_ =	shalt  }
0x5f: {  	_ =	shalt  }
0x60: {  	_ =	shalt  }
0x61: {  	_ =	shalt  }
0x62: {  	_ =	shalt  }
0x63: {  	_ =	shalt  }
0x64: {  	_ =	shalt  }
0x65: {  	_ =	shalt  }
0x66: {  	_ =	shalt  }
0x67: {  	_ =	shalt  }
0x68: {  	_ =	shalt  }
0x69: {  	_ =	shalt  }
0x6a: {  	_ =	shalt  }
0x6b: {  	_ =	shalt  }
0x6c: {  	_ =	shalt  }
0x6d: {  	_ =	shalt  }
0x6e: {  	_ =	shalt  }
0x6f: {  	_ =	shalt  }
0x70: {  	_ =	shalt  }
0x71: {  	_ =	shalt  }
0x72: {  	_ =	shalt  }
0x73: {  	_ =	shalt  }
0x74: {  	_ =	shalt  }
0x75: {  	_ =	shalt  }
0x76: {  	_ =	shalt  }
0x77: {  	_ =	shalt  }
0x78: {  	_ =	shalt  }
0x79: {  	_ =	shalt  }
0x7a: {  	_ =	shalt  }
0x7b: {  	_ =	shalt  }
0x7c: {  	_ =	shalt  }
0x7d: {  	_ =	shalt  }
0x7e: {  	_ =	shalt  }
0x7f: {  	_ =	shalt  }
0x80: {  	_ =	shalt  }
0x81: {  	_ =	shalt  }
0x82: {  	_ =	shalt  }
0x83: {  	_ =	shalt  }
0x84: {  	_ =	shalt  }
0x85: {  	_ =	shalt  }
0x86: {  	_ =	shalt  }
0x87: {  	_ =	shalt  }
.Lfunc_end0:
.L_simem_size_0:
called_computation.1_lowered:
.L_overlay_start_0:
0x88: {  	s2 =	sld [smem:$0x3FD9]  }
0x89: {  	s3 =	sld [smem:$0x3FFE];
	_ =	sdelay $0x1  }
0x8a: {  	s1 =	srdreg.scid  }
0x8b: {  	s0 =	sand.u32 $0x1, s1  }
0x8c: {  	s16 =	sshll.u32 s0, $0xA;
	s2 =	sadd.s32 s3, s2  }
0x8d: {  	s2 =	sadd.s32 s2, s16  }
0x8e: {  	[smem:$0x3FB5] =	sst s2  }
0x8f: {  	_ = 	snop  }
0x90: {  	(tm) =	ssettm $0x1  }
0x91: {  	s17 =	sld [smem:$0x3FFB];
	_ =	sdelay $0x3  }
0x92: {  	_ =	strace s17  }
0x93: {  	s2 =	sld [smem:$0x3FFC];
	_ =	sdelay $0x3  }
0x94: {  	_ =	strace s2  }
0x95: {  	s2 =	sld [smem:$0x3FFD];
	_ =	sdelay $0x3  }
0x96: {  	_ =	strace s2  }
0x97: {  	_ =	strace $0x8FFFFFFF  }
0x98: {  	s18 =	sld [smem:$0x3FDB];
	_ =	sdelay $0x1  }
0x99: {  	s19 =	simm.s32 $_scs_section_size  }
0x9a: {  	s4 =	simm.s32 $_size__tile_overlayer_lowered;
	s5 =	simm.s32 $_tile_overlayer_lowered  }
0x9b: {  	s22 =	simm.s32 $0x1BFF;
	s21 =	sshll.u32 s5, $0x1;
	s2 =	sadd.s32 s19, s18  }
0x9c: {  	s6 =	simm.s32 $0x0;
	s20 =	sshll.u32 s4, $0x1;
	s4 =	sadd.s32 s21, s2  }
0x9d: {  	[timem:s6], [sflag:s22] =	dma.local [hbm:s4], s20  }
0x9e: {  	_ =	swait.ge [sflag:s22], s20  }
0x9f: {  	s3 =	ssub.s32 $0x0, s20;
	[sflag:s22] =	ssyncset.done $0x0  }
0xa0: {  	[sflag:s22] =	ssyncadd.s32 s3;
	_ =	sdelay $0x1  }
0xa1: {  	s23 =	simm.s32 $0x1B8B  }
0xa2: {  	_ =	swait.ge [sflag:s23], $0x1  }
0xa3: {  	[sflag:s23] =	ssyncset.done $0x0  }
0xa4: {  	s25 =	simm.s32 $0x1B8E;
	s24 =	sld [smem:$0x3FFE];
	[sflag:s23] =	ssyncadd.s32 $0xFFFFFFFF  }
0xa5: {  	s26 =	simm.s32 $execute0_lowered;
	[smem:$0x3FD2] =	sst s25  }
0xa6: {  	s4 =	sshll.u32 s26, $0x1;
	_ =	strace $0x80000049;
	[dreg:$0x1] =	wrdreg $0xFFFFFFFF  }
0xa7: {  	s28 =	simm.s32 $_size_execute0_lowered;
	s2 =	sadd.s32 s2, s4;
	[dreg:$0x0] =	wrdreg $0x0  }
0xa8: {  	s4 =	sshll.u32 s28, $0x1;
	[dreg:$0x2] =	wrdreg s2  }
0xa9: {  	[dreg:$0x3] =	wrdreg s4  }
0xaa: {  	[dreg:$0x4] =	wrdreg $0xC0  }
0xab: {  	_ =	task [dreg:s6], $0x5FFFF  }
0xac: {  	[dreg:$0x1] =	wrdreg $0xFFFFFFFF  }
0xad: {  	[dreg:$0x0] =	wrdreg $0x60  }
0xae: {  	[dreg:$0x2] =	wrdreg s24  }
0xaf: {  	[dreg:$0x3] =	wrdreg $0x0  }
0xb0: {  	[dreg:$0x4] =	wrdreg $0x9  }
0xb1: {  	_ =	task.clear_ibuf [dreg:s6], $0x5FFFF;
	_ =	strace $0x90000049  }
0xb2: {  	s29 =	simm.s32 $0x9;
	_ =	strace $0x8000004B  }
0xb3: {  	_ =	swait.ge [sflag:s29], $0x1  }
0xb4: {  	[sflag:s29] =	ssyncadd.s32 $0xFFFFFFFF  }
0xb5: {  	_ =	strace $0x9000004B  }
0xb6: {  	_ =	sfence  }
0xb7: {  	s30 =	sld [smem:$0x0];
	_ =	sdelay $0x2  }
0xb8: {  	s31 =	sshll.u32 s1, $0xD;
	s1 =	sshrl.u32 s1, $0x2  }
0xb9: {  	s3 =	sand.u32 $0x4000, s31;
	s1 =	sadd.s32 s1, s30  }
0xba: {  	s0 =	sor.u32 s3, s0;
	s1 =	sshll.u32 s1, $0x11  }
0xbb: {  	s0 =	sor.u32 s1, s0  }
0xbc: {  	s0 =	sadd.s32 $0x8F2B, s0  }
0xbd: {  	[sflag:s0] =	ssyncadd.remote.s32 $0x1  }
0xbe: {  	_ =	sfence.sel $0xFFFF  }
0xbf: {  	[dreg:$0x0] =	wrdreg $0xFFFFFFFF;
	(pc) =	sbr.abs _section_cstart, $3  }
0xc0: {  	[dreg:$0x1] =	wrdreg $0xFFFFFFFF  }
0xc1: {  	_ =	task.clear_ibuf [dreg:s6], $0x2FFFF;
	_ =	strace $0x9FFFFFFF  }
0xc2: {  	(tm) =	ssettm $0x7FFFFFFF  }
0xc3: {  	_ =	shalt  }
tec
execute0_lowered:
.L_overlay_start_1:
0x0: {  	(tag) =	ssettag $0x1  }
0x1: {  	s0 =	rddreg [dreg:$0x0]  }
0x2: {  	s2 =	rddreg [dreg:$0x1]  }
0x3: {  	s3 =	simm.s32 $0x0;
	s13 =	stileid.u32;
	s1 =	srdreg.scid  }
0x4: {  	s29 =	simm.s32 $0x16200;
	s30 =	simm.s32 $0x50;
	s31 =	simm.s32 $0x16380  }
0x5: {  	[smem:$0x7FF] =	sst s3;
	s7 =	smul.u32 $0x278, s13;
	s1 =	sand.u32 $0x1, s1  }
0x6: {  	s4 =	sadd.s32 $0x17800, s0;
	s5 =	sadd.s32 $0xDA00, s0;
	s6 =	sadd.s32 $0x3C00, s0  }
0x7: {  	s12 =	sshll.u32 s13, $0x7;
	s14 =	sadd.s32 $0x3EA00, s0;
	s16 =	sshll.u32 s13, $0x6  }
0x8: {  	s20 =	smul.u32 $0x2710, s13;
	_ =	strace $0x8000004A;
	s8 =	sshll.u32 s1, $0x4  }
0x9: {  	s10 =	smul.u32 $0x138800, s1;
	s12 =	sand.u32 $0x380, s12;
	[dreg:$0x3] =	wrdreg s14  }
0xa: {  	s14 =	ssub.s32 $0x2, s1;
	s1 =	smul.u32 $0x27100, s1;
	s7 =	smin.u32 s7, $0x2498  }
0xb: {  	s8 =	sor.u32 s13, s8;
	s15 =	sshrl.u32 s14, $0x1;
	s9 =	sshll.u32 s7, $0x4  }
0xc: {  	s11 =	sshrl.u32 s8, $0x3;
	s7 =	sshll.u32 s7, $0x7;
	s8 =	smul.u32 $0x2710, s8  }
0xd: {  	s1 =	sadd.s32 s20, s1;
	s11 =	smul.u32 $0x14000, s11;
	s9 =	sadd.s32 s9, s0  }
0xe: {  	s10 =	sadd.s32 s10, s7;
	s7 =	sadd.s32 s7, s2;
	s24 =	sadd.s32 $0x190, s1  }
0xf: {  	s25 =	sadd.s32 $0x140, s1;
	s10 =	sshrl.u32 s10, $0x3;
	[dreg:$0x4] =	wrdreg s7  }
0x10: {  	s9 =	sadd.s32 $0x3F000, s9;
	s17 =	sshrl.u32 s8, $0x3;
	s11 =	sor.u32 s12, s11  }
0x11: {  	s28 =	sadd.s32 s10, s0;
	[dreg:$0x5] =	wrdreg s9;
	s8 =	sadd.s32 s6, s17  }
0x12: {  	s18 =	sadd.s32 s5, s17;
	s19 =	sadd.s32 $0xA, s17;
	[dreg:$0x6] =	wrdreg s8  }
0x13: {  	s10 =	sor.u32 $0x1C07, s16;
	[dreg:$0x7] =	wrdreg s18;
	s21 =	sadd.s32 s6, s19  }
0x14: {  	s7 =	sadd.s32 $0x14, s17;
	s8 =	sadd.s32 s5, s19;
	[dreg:$0x8] =	wrdreg s21  }
0x15: {  	s9 =	simm.s32 $0x1;
	s22 =	sadd.s32 s6, s7;
	[dreg:$0x9] =	wrdreg s8  }
0x16: {  	s11 =	sshrl.u32 s11, $0x3;
	s7 =	sadd.s32 s5, s7;
	[dreg:$0xa] =	wrdreg s22  }
0x17: {  	s23 =	sadd.s32 $0x70200, s28;
	s28 =	sadd.s32 $0xF0, s1;
	[dreg:$0xb] =	wrdreg s7  }
0x18: {  	s1 =	simm.s32 $0x16280;
	s0 =	sadd.s32 s11, s0;
	[dreg:$0xc] =	wrdreg s23  }
0x19: {  	s11 =	ssub.s32 s14, s15;
	s7 =	sshrl.u32 s25, $0x3;
	[dreg:$0xf] =	wrdreg s28  }
0x1a: {  	s25 =	simm.s32 $0x7;
	s8 =	simm.s32 $0x18B80;
	s0 =	sadd.s32 $0x66200, s0  }
0x1b: {  	s26 =	smax.u32 s11, $0x1;
	s22 =	sadd.s32 s7, s5;
	s23 =	sadd.s32 s7, s6  }
0x1c: {  	s7 =	simm.s32 $0x5;
	s11 =	simm.s32 $0x0;
	[dreg:$0xd] =	wrdreg s0  }
0x1d: {  	[dreg:$0xe] =	wrdreg s26;
	s0 =	sshrl.u32 s24, $0x3;
	s26 =	simm.s32 $0x13880  }
0x1e: {  	v0 =	vimm.f32 $1.000000000e+00;
	s20 =	sadd.s32 s0, s5;
	s21 =	sadd.s32 s0, s6;
	s0 =	simm.s32 $0x16100  }
.LBB2_1:
0x1f: {  	s12 =	rddreg [dreg:$0x4]  }
0x20: {  	s13 =	rddreg [dreg:$0x5];
	s12 =	sshrl.u32 s12, $0x3  }
0x21: {  	[spmem:s12], [sflag:s10] =	dma.local [hbm:s13], $0x2780  }
0x22: {  	_ =	swait.ge [sflag:s25], $0x2780  }
0x23: {  	[sflag:s25] =	ssyncset.done $0x0  }
0x24: {  	s24 =	rddreg [dreg:$0x3];
	[sflag:s25] =	ssyncadd.s32 $0xFFFFD880  }
0x25: {  	[tilespmem:s26], [sflag:$0x7] =	stream.linear.gather [hbm4b:s24+s3], $0x2800, $0x38;
	[tilespmem:$0x1DB80] =	vst v63  }
0x26: {  	_ =	swait.ge [sflag:s25], $0x2800  }
0x27: {  	[sflag:s25] =	ssyncset.done $0x0  }
0x28: {  	[sflag:s25] =	ssyncadd.s32 $0xFFFFD800  }
0x29: {  	[bflag:$0x0] =	sbarrier.arrive $0xFFFF  }
0x2a: {  	s14 =	simm.s32 $0x16080;
	s28 =	rddreg [dreg:$0x6]  }
0x2b: {  	[tilespmem:s14], [sflag:$0x7] =	stream.linear.gather [hbm4b:s28+s3], $0x50, $0x38;
	[tilespmem:$0x1DB80] =	vst v63  }
0x2c: {  	_ =	swait.ge [sflag:s25], $0x50  }
0x2d: {  	[sflag:s25] =	ssyncset.done $0x0  }
0x2e: {  	s15 =	rddreg [dreg:$0x7];
	[sflag:s25] =	ssyncadd.s32 $0xFFFFFFB0  }
0x2f: {  	[tilespmem:s29], [sflag:$0x7] =	stream.linear.gather [hbm4b:s15+s3], $0x50, $0x38;
	[tilespmem:$0x1DB80] =	vst v63  }
0x30: {  	_ =	swait.ge [sflag:s25], $0x50  }
0x31: {  	[sflag:s25] =	ssyncset.done $0x0  }
0x32: {  	[sflag:s25] =	ssyncadd.s32 $0xFFFFFFB0  }
0x33: {  	[tilespmem:s31], [sflag:$0x1] =	stream.indirect.gather [hbm4b:s4+s30], $0x80, s14, s30, $0xb8;
	[tilespmem:$0x1DB80] =	vst v63  }
0x34: {  	s16 =	rddreg [dreg:$0x8]  }
0x35: {  	[tilespmem:s0], [sflag:$0x5] =	stream.linear.gather [hbm4b:s16+s3], $0x50, $0x38;
	[tilespmem:$0x1DB80] =	vst v63  }
0x36: {  	s17 =	rddreg [dreg:$0x9]  }
0x37: {  	[tilespmem:s1], [sflag:$0x5] =	stream.linear.gather [hbm4b:s17+s3], $0x50, $0x38;
	[tilespmem:$0x1DB80] =	vst v63  }
0x38: {  	_ =	swait.ge [sflag:s7], $0x50  }
0x39: {  	[sflag:s7] =	ssyncset.done $0x0  }
0x3a: {  	[sflag:s7] =	ssyncadd.s32 $0xFFFFFFB0  }
0x3b: {  	_ =	swait.ge [sflag:s7], $0x50  }
0x3c: {  	[sflag:s7] =	ssyncset.done $0x0  }
0x3d: {  	[sflag:s7] =	ssyncadd.s32 $0xFFFFFFB0  }
0x3e: {  	[tilespmem:s8], [sflag:$0x2] =	stream.indirect.gather [hbm4b:s4+s30], $0x80, s0, s30, $0xb8;
	[tilespmem:$0x1DB80] =	vst v63  }
0x3f: {  	s19 =	simm.s32 $0x16180;
	s18 =	rddreg [dreg:$0xa]  }
0x40: {  	[tilespmem:s19], [sflag:$0x6] =	stream.linear.gather [hbm4b:s18+s3], $0x50, $0x38;
	[tilespmem:$0x1DB80] =	vst v63  }
0x41: {  	s28 =	simm.s32 $0x16300;
	s24 =	rddreg [dreg:$0xb]  }
0x42: {  	[tilespmem:s28], [sflag:$0x6] =	stream.linear.gather [hbm4b:s24+s3], $0x50, $0x38;
	[tilespmem:$0x1DB80] =	vst v63  }
0x43: {  	s15 =	simm.s32 $0x0;
	s14 =	simm.s32 $0x0;
	s24 =	rddreg [dreg:$0xf]  }
.LBB2_2:
0x44: {  	_ =	swait.ge [sflag:s9], $0x2800  }
0x45: {  	p0 =	seq.s32 s14, $0x4CE;
	[sflag:s9] =	ssyncset.done $0x0  }
0x46: {  	s16 =	simm.s32 @!p0 $0x6;
	[sflag:s9] =	ssyncadd.s32 $0xFFFFD800  }
0x47: {  	_ =	swait.ge @!p0 [sflag:s16], $0x50  }
0x48: {  	[sflag:s16] =	ssyncset.done @!p0 $0x0  }
0x49: {  	[sflag:s16] =	ssyncadd.s32 @!p0 $0xFFFFFFB0  }
0x4a: {  	_ =	swait.ge @!p0 [sflag:s16], $0x50  }
0x4b: {  	s18 =	simm.s32 @!p0 $0x16180;
	[sflag:s16] =	ssyncset.done @!p0 $0x0  }
0x4c: {  	s17 =	simm.s32 @!p0 $0x1B380;
	[sflag:s16] =	ssyncadd.s32 @!p0 $0xFFFFFFB0;
	s16 =	simm.s32 @!p0 $0x50  }
0x4d: {  	[tilespmem:s17], [sflag:$0x3] =	stream.indirect.gather @!p0 [hbm4b:s4+s16], $0x80, s18, s16, $0xb8;
	[tilespmem:$0x1DB80] =	vst v63  }
0x4e: {  	_ = 	snop  }
0x4f: {  	[spmem:s2] =	stream.indirect.scatter.add.f32 [tilespmem:s31], [sflag:$0x7], $0x80, s29, s30, $0xb8;
	[tilespmem:$0x1DB80] =	vst v63  }
0x50: {  	_ =	swait.ge [sflag:s25], $0x2800  }
0x51: {  	[sflag:s25] =	ssyncset.done $0x0  }
0x52: {  	[sflag:s25] =	ssyncadd.s32 $0xFFFFD800  }
0x53: {  	v1 =	vld [tilespmem:$0x16200];
	_ =	sdelay $0x7  }
0x54: {  	[tilespmem:v1+s26+$0x0] =	vst.idx.add.f32.msk $0xffff, v0  }
0x55: {  	v1 =	vld [tilespmem:$0x16210];
	_ =	sdelay $0x7  }
0x56: {  	[tilespmem:v1+s26+$0x0] =	vst.idx.add.f32.msk $0xffff, v0  }
0x57: {  	v1 =	vld [tilespmem:$0x16220];
	_ =	sdelay $0x7  }
0x58: {  	[tilespmem:v1+s26+$0x0] =	vst.idx.add.f32.msk $0xffff, v0  }
0x59: {  	v1 =	vld [tilespmem:$0x16230];
	_ =	sdelay $0x7  }
0x5a: {  	[tilespmem:v1+s26+$0x0] =	vst.idx.add.f32.msk $0xffff, v0  }
0x5b: {  	v1 =	vld [tilespmem:$0x16240];
	_ =	sdelay $0x7  }
0x5c: {  	s18 =	simm.s32 @p0 $0x2;
	[tilespmem:v1+s26+$0x0] =	vst.idx.add.f32.msk $0xffff, v0  }
0x5d: {  	_ =	swait.ge @p0 [sflag:s18], $0x2800  }
0x5e: {  	[sflag:s18] =	ssyncset.done @p0 $0x0  }
0x5f: {  	[sflag:s18] =	ssyncadd.s32 @p0 $0xFFFFD800;
	s18 =	sshrl.u32 @!p0 s24, $0x3  }
0x60: {  	s28 =	simm.s32 @!p0 $0x0;
	s13 =	simm.s32 @!p0 $0x16080;
	s19 =	sadd.s32 @!p0 s6, s18  }
0x61: {  	[tilespmem:s13], [sflag:$0x4] =	stream.linear.gather @!p0 [hbm4b:s19+s28], $0x50, $0x38;
	[tilespmem:$0x1DB80] =	vst v63  }
0x62: {  	s18 =	sadd.s32 @!p0 s5, s18;
	s19 =	simm.s32 @!p0 $0x16200  }
0x63: {  	[tilespmem:s19], [sflag:$0x4] =	stream.linear.gather @!p0 [hbm4b:s18+s28], $0x50, $0x38;
	[tilespmem:$0x1DB80] =	vst v63  }
0x64: {  	s18 =	simm.s32 @!p0 $0x2  }
0x65: {  	_ =	swait.ge @!p0 [sflag:s18], $0x2800  }
0x66: {  	[sflag:s18] =	ssyncset.done @!p0 $0x0  }
0x67: {  	[sflag:s18] =	ssyncadd.s32 @!p0 $0xFFFFD800;
	s18 =	simm.s32 @!p0 $0x4  }
0x68: {  	_ =	swait.ge @!p0 [sflag:s18], $0x50  }
0x69: {  	[sflag:s18] =	ssyncset.done @!p0 $0x0  }
0x6a: {  	[sflag:s18] =	ssyncadd.s32 @!p0 $0xFFFFFFB0  }
0x6b: {  	_ =	swait.ge @!p0 [sflag:s18], $0x50  }
0x6c: {  	[sflag:s18] =	ssyncset.done @!p0 $0x0  }
0x6d: {  	[sflag:s18] =	ssyncadd.s32 @!p0 $0xFFFFFFB0;
	s18 =	simm.s32 @!p0 $0x16380  }
0x6e: {  	[tilespmem:s18], [sflag:$0x1] =	stream.indirect.gather @!p0 [hbm4b:s4+s16], $0x80, s13, s16, $0xb8;
	[tilespmem:$0x1DB80] =	vst v63  }
0x6f: {  	_ = 	snop  }
0x70: {  	[spmem:s2] =	stream.indirect.scatter.add.f32 [tilespmem:s8], [sflag:$0x7], $0x80, s1, s30, $0xb8;
	[tilespmem:$0x1DB80] =	vst v63  }
0x71: {  	_ =	swait.ge [sflag:s25], $0x2800  }
0x72: {  	[sflag:s25] =	ssyncset.done $0x0  }
0x73: {  	[sflag:s25] =	ssyncadd.s32 $0xFFFFD800  }
0x74: {  	v1 =	vld [tilespmem:$0x16280];
	_ =	sdelay $0x7  }
0x75: {  	[tilespmem:v1+s26+$0x0] =	vst.idx.add.f32.msk $0xffff, v0  }
0x76: {  	v1 =	vld [tilespmem:$0x16290];
	_ =	sdelay $0x7  }
0x77: {  	[tilespmem:v1+s26+$0x0] =	vst.idx.add.f32.msk $0xffff, v0  }
0x78: {  	v1 =	vld [tilespmem:$0x162A0];
	_ =	sdelay $0x7  }
0x79: {  	[tilespmem:v1+s26+$0x0] =	vst.idx.add.f32.msk $0xffff, v0  }
0x7a: {  	v1 =	vld [tilespmem:$0x162B0];
	_ =	sdelay $0x7  }
0x7b: {  	[tilespmem:v1+s26+$0x0] =	vst.idx.add.f32.msk $0xffff, v0  }
0x7c: {  	v1 =	vld [tilespmem:$0x162C0];
	_ =	sdelay $0x7  }
0x7d: {  	s13 =	sadd.s32 @!p0 s14, s23;
	s18 =	simm.s32 @!p0 $0x16100;
	[tilespmem:v1+s26+$0x0] =	vst.idx.add.f32.msk $0xffff, v0  }
0x7e: {  	[tilespmem:s18], [sflag:$0x5] =	stream.linear.gather @!p0 [hbm4b:s13+s28], $0x50, $0x38;
	[tilespmem:$0x1DB80] =	vst v63  }
0x7f: {  	s19 =	simm.s32 @!p0 $0x16280;
	s13 =	sadd.s32 @!p0 s14, s22  }
0x80: {  	[tilespmem:s19], [sflag:$0x5] =	stream.linear.gather @!p0 [hbm4b:s13+s28], $0x50, $0x38;
	[tilespmem:$0x1DB80] =	vst v63  }
0x81: {  	s13 =	simm.s32 @!p0 $0x3  }
0x82: {  	_ =	swait.ge @!p0 [sflag:s13], $0x2800  }
0x83: {  	[sflag:s13] =	ssyncset.done @!p0 $0x0  }
0x84: {  	[sflag:s13] =	ssyncadd.s32 @!p0 $0xFFFFD800;
	s13 =	simm.s32 @!p0 $0x5  }
0x85: {  	_ =	swait.ge @!p0 [sflag:s13], $0x50  }
0x86: {  	[sflag:s13] =	ssyncset.done @!p0 $0x0  }
0x87: {  	[sflag:s13] =	ssyncadd.s32 @!p0 $0xFFFFFFB0  }
0x88: {  	_ =	swait.ge @!p0 [sflag:s13], $0x50  }
0x89: {  	[sflag:s13] =	ssyncset.done @!p0 $0x0  }
0x8a: {  	[sflag:s13] =	ssyncadd.s32 @!p0 $0xFFFFFFB0;
	s13 =	simm.s32 @!p0 $0x18B80  }
0x8b: {  	[tilespmem:s13], [sflag:$0x2] =	stream.indirect.gather @!p0 [hbm4b:s4+s16], $0x80, s18, s16, $0xb8;
	[tilespmem:$0x1DB80] =	vst v63  }
0x8c: {  	s13 =	simm.s32 @!p0 $0x16300  }
0x8d: {  	[spmem:s2] =	stream.indirect.scatter.add.f32 @!p0 [tilespmem:s17], [sflag:$0x7], $0x80, s13, s16, $0xb8;
	[tilespmem:$0x1DB80] =	vst v63  }
0x8e: {  	s13 =	simm.s32 @!p0 $0x7  }
0x8f: {  	_ =	swait.ge @!p0 [sflag:s13], $0x2800  }
0x90: {  	[sflag:s13] =	ssyncset.done @!p0 $0x0  }
0x91: {  	[sflag:s13] =	ssyncadd.s32 @!p0 $0xFFFFD800  }
0x92: {  	v1 =	vld @!p0 [tilespmem:$0x16300];
	_ =	sdelay $0x6  }
0x93: {  	v2 =	vimm.f32 @!p0 $1.000000000e+00;
	s13 =	simm.s32 @!p0 $0x13880  }
0x94: {  	[tilespmem:v1+s13+$0x0] =	vst.idx.add.f32.msk @!p0 $0xffff, v2  }
0x95: {  	v1 =	vld @!p0 [tilespmem:$0x16310];
	_ =	sdelay $0x7  }
0x96: {  	[tilespmem:v1+s13+$0x0] =	vst.idx.add.f32.msk @!p0 $0xffff, v2  }
0x97: {  	v1 =	vld @!p0 [tilespmem:$0x16320];
	_ =	sdelay $0x7  }
0x98: {  	[tilespmem:v1+s13+$0x0] =	vst.idx.add.f32.msk @!p0 $0xffff, v2  }
0x99: {  	v1 =	vld @!p0 [tilespmem:$0x16330];
	_ =	sdelay $0x7  }
0x9a: {  	[tilespmem:v1+s13+$0x0] =	vst.idx.add.f32.msk @!p0 $0xffff, v2  }
0x9b: {  	v1 =	vld @!p0 [tilespmem:$0x16340];
	_ =	sdelay $0x5  }
0x9c: {  	p1 =	sgt.u32 @!p0 s15, $0x27  }
0x9d: {  	p1 =	por p1, p0  }
0x9e: {  	s16 =	simm.s32 @!p1 $0x0;
	s17 =	simm.s32 @!p1 $0x16180;
	[tilespmem:v1+s13+$0x0] =	vst.idx.add.f32.msk @!p0 $0xffff, v2;
	s13 =	sadd.s32 @!p1 s14, s21  }
0x9f: {  	[tilespmem:s17], [sflag:$0x6] =	stream.linear.gather @!p1 [hbm4b:s13+s16], $0x50, $0x38;
	[tilespmem:$0x1DB80] =	vst v63  }
0xa0: {  	s13 =	sadd.s32 @!p1 s14, s20;
	s17 =	simm.s32 @!p1 $0x16300;
	s14 =	sadd.s32 @!p0 $0x1E, s14  }
0xa1: {  	[tilespmem:s17], [sflag:$0x6] =	stream.linear.gather @!p1 [hbm4b:s13+s16], $0x50, $0x38;
	[tilespmem:$0x1DB80] =	vst v63  }
0xa2: {  	p1 =	sne.s32 @!p0 s14, $0x4EC  }
0xa3: {  	p1 =	por p0, !p1  }
.Ltmp0:
0xa4: {  	_ = 	snop;
	(pc) =	sbr.rel @!p1 .LBB2_2-.Ltmp0, $2  }
0xa5: {  	_ =	sdelay $0x2  }
0xa6: {  	s15 =	sadd.s32 @!p0 $0x1, s15;
	s24 =	sadd.s32 @!p0 $0xF0, s24  }
0xa7: {  	[bflag:$0x0] =	sbarrier.arrive $0xFFFF  }
0xa8: {  	s13 =	rddreg [dreg:$0xc]  }
0xa9: {  	[hbm:s13], [sflag:s10] =	dma.local [spmem:s12], $0x2780  }
0xaa: {  	_ =	swait.ge [sflag:s25], $0x2780  }
0xab: {  	s24 =	simm.s32 $0x80;
	[sflag:s25] =	ssyncset.done $0x0  }
0xac: {  	s14 =	simm.s32 $0x400;
	s19 =	rddreg [dreg:$0xd];
	[sflag:s25] =	ssyncadd.s32 $0xFFFFD880  }
0xad: {  	[hbm4b:s19+s24] =	stream.strided.scatter [tilespmem:s26], [sflag:$0x7], $0x2800, s14, s24, $0x38;
	[tilespmem:$0x1DB80] =	vst v63  }
0xae: {  	_ =	swait.ge [sflag:s25], $0x2800  }
0xaf: {  	s11 =	sadd.s32 $0x1, s11;
	s28 =	rddreg [dreg:$0xe]  }
0xb0: {  	p0 =	sne.s32 s11, s28  }
.Ltmp1:
0xb1: {  	_ = 	snop;
	(pc) =	sbr.rel @p0 .LBB2_1-.Ltmp1, $3  }
0xb2: {  	_ =	sdelay $0x1  }
0xb3: {  	[sflag:s25] =	ssyncset.done $0x0  }
0xb4: {  	[sflag:s25] =	ssyncadd.s32 $0xFFFFD800  }
0xb5: {  	_ =	sfence.sel $0x180000  }
0xb6: {  	[bflag:$0x0] =	sbarrier.arrive $0xFFFF  }
0xb7: {  	_ =	strace $0x9000004A  }
0xb8: {  	s0 =	stileid.u32;
	[bflag:$0x2] =	sbarrier.arrive $0xFFFF  }
0xb9: {  	p0 =	sne.s32 s0, $0x0;
	s0 =	rddreg [dreg:$0x2]  }
0xba: {  	s0 =	sadd.s32 @!p0 $0x100000, s0  }
0xbb: {  	[sflag:s0] =	ssyncadd.tile.s32 @!p0 $0x1;
	_ =	shalt  }
.Lfunc_end2:
_tile_overlayer_lowered:
.L_overlay_start_2:
0xbc: {  	(tag) =	ssettag $0x2  }
0xbd: {  	s0 =	rddreg [dreg:$0x0];
	s2 =	stileid.u32  }
0xbe: {  	s1 =	rddreg [dreg:$0x1];
	p0 =	sne.s32 s2, $0x0  }
0xbf: {  	s3 =	rddreg [dreg:$0x2];
	[bflag:$0x3] =	sbarrier.arrive $0xFFFF;
	s2 =	simm.s32 @!p0 $0x1C07  }
0xc0: {  	[timem:s3], [sflag:s2] =	dma.local @!p0 [hbm:s0], s1  }
0xc1: {  	s0 =	simm.s32 @!p0 $0x7  }
0xc2: {  	_ =	swait.ge @!p0 [sflag:s0], s1  }
0xc3: {  	s1 =	ssub.s32 @!p0 $0x0, s1;
	[sflag:s0] =	ssyncset.done @!p0 $0x0  }
0xc4: {  	[sflag:s0] =	ssyncadd.s32 @!p0 s1  }
0xc5: {  	[bflag:$0x3] =	sbarrier.arrive $0xFFFF  }
0xc6: {  	_ =	shalt  }

// kernel: kernel.9.cloned.1.call-start
scs
__scs_entry_jumppad:
0x0: {  	(pc) =	sbr.rel $0x88, $3  }
0x1: {  	(tag) =	ssettag $0x0;
	lr =	simm.s32 $0x1  }
0x2: {  	[smem:$0x3F8E] =	sst lr;
	_ =	strace $0xD0000000  }
0x3: {  	_ = 	snop  }
0x4: {  	_ = 	snop  }
0x5: {  	_ = 	snop  }
0x6: {  	_ = 	snop  }
0x7: {  	_ = 	snop  }
__scs_overlays_trampoline_lowered:
0x8: {  	[smem:$0x3F9D] =	sst s0  }
0x9: {  	[smem:$0x3F9E] =	sst s1  }
0xa: {  	[smem:$0x3F9F] =	sst s2  }
0xb: {  	[smem:$0x3FA0] =	sst s3  }
0xc: {  	[smem:$0x3FA1] =	sst s4  }
0xd: {  	[smem:$0x3FA2] =	sst s5  }
0xe: {  	[smem:$0x3FA3] =	sst s6  }
0xf: {  	[smem:$0x3FA4] =	sst s7  }
0x10: {  	[smem:$0x3FA5] =	sst s8  }
0x11: {  	[smem:$0x3FA6] =	sst s9;
	s0 =	simm.s32 @!p0 $0x0  }
0x12: {  	s1 =	sld [smem:$0x3F8C];
	s0 =	simm.s32 @p0 $0x1  }
0x13: {  	[smem:$0x3FA7] =	sst s0;
	s0 =	simm.s32 @!p1 $0x0  }
0x14: {  	s2 =	sld [smem:$0x3F8B];
	s0 =	simm.s32 @p1 $0x1  }
0x15: {  	[smem:$0x3FA8] =	sst s0;
	s0 =	simm.s32 @!p2 $0x0  }
0x16: {  	s3 =	sld [smem:$0x3FDB];
	s0 =	simm.s32 @p2 $0x1  }
0x17: {  	s4 =	simm.s32 $0x1BF5;
	[smem:$0x3FAA] =	sst s0  }
0x18: {  	s0 =	sld [smem:$0x3F8D];
	_ =	swait.ge [sflag:s4], $0x0  }
0x19: {  	s7 =	sld [smem:$0x3F8E]  }
0x1a: {  	s8 =	sadd.s32 $0xFFFFE003, lr  }
0x1b: {  	s9 =	sadd.s32 $0xFFFFFEF7, lr;
	s5 =	simm.s32 $0xFFFFFFFF;
	p2 =	slt.u32 s8, $0xFFFFF086  }
0x1c: {  	p1 =	slt.u32 s9, $0xF7A;
	s5 =	simm.s32 @!p2 $0x0  }
0x1d: {  	s5 =	simm.s32 @p1 $0x1;
	p0 =	seq.s32 s7, s2  }
0x1e: {  	s7 =	smul.u32 @!p0 $0xF7A, s2;
	p2 =	seq.s32 @!p0 s5, $0x0  }
0x1f: {  	s9 =	smul.u32 $0xF7A, s1;
	s8 =	simm.s32 @!p0 $0x1BF5;
	p2 =	por !p2, p0  }
0x20: {  	[sflag:s8] =	ssyncset.s32 @!p0 $0xFFFFF086;
	s6 =	sadd.s32 @!p0 s3, s7;
	s7 =	simm.s32 @!p0 $0x108  }
0x21: {  	s3 =	sadd.s32 s3, s9;
	s6 =	sadd.s32 @!p0 $0x88, s6;
	s7 =	simm.s32 @p2 $0x1082  }
0x22: {  	[simem:s7], [sflag:s8] =	dma.local @!p0 [hbm:s6], $0xF7A  }
0x23: {  	s9 =	sor.u32 $0xD0000000, s2;
	s6 =	simm.s32 $0x108;
	_ =	swait.ge @!p0 [sflag:s8], $0x0  }
0x24: {  	s3 =	sadd.s32 $0x88, s3;
	s6 =	simm.s32 @!p1 $0x1082;
	[sflag:s4] =	ssyncset.s32 $0xFFFFF086  }
0x25: {  	[simem:s6], [sflag:s4] =	dma.local [hbm:s3], $0xF7A  }
0x26: {  	[smem:$0x3F8E] =	sst s1;
	(tag) =	ssettag s2;
	_ =	strace s9  }
0x27: {  	s1 =	sld [smem:$0x3F9E]  }
0x28: {  	s2 =	sld [smem:$0x3F9F]  }
0x29: {  	s4 =	sld [smem:$0x3FA1]  }
0x2a: {  	p0 =	seq.s32 s5, $0x0;
	s5 =	sld [smem:$0x3FA2]  }
0x2b: {  	s6 =	sld [smem:$0x3FA3]  }
0x2c: {  	s7 =	sld [smem:$0x3FA4]  }
0x2d: {  	s3 =	simm.s32 $0x108;
	s8 =	sld [smem:$0x3FA5]  }
0x2e: {  	s3 =	simm.s32 @!p0 $0x1082;
	s9 =	sld [smem:$0x3FA6]  }
0x2f: {  	lr =	sadd.s32 s0, s3;
	s0 =	sld [smem:$0x3F9D]  }
0x30: {  	s3 =	sld [smem:$0x3FA0]  }
0x31: {  	[smem:$0x3FA9] =	sst s10  }
0x32: {  	s10 =	sld [smem:$0x3FA7];
	_ =	sdelay $0x3  }
0x33: {  	p0 =	seq.s32 s10, $0x1;
	s10 =	sld [smem:$0x3FA9];
	_ =	sdelay $0x3  }
0x34: {  	[smem:$0x3FA9] =	sst s10  }
0x35: {  	s10 =	sld [smem:$0x3FA8];
	_ =	sdelay $0x3  }
0x36: {  	p1 =	seq.s32 s10, $0x1;
	s10 =	sld [smem:$0x3FA9];
	_ =	sdelay $0x3  }
0x37: {  	[smem:$0x3FA9] =	sst s10  }
0x38: {  	s10 =	sld [smem:$0x3FAA]  }
0x39: {  	_ = 	snop;
	(pc) =	sbr.ind lr, $3  }
0x3a: {  	_ = 	snop  }
0x3b: {  	_ = 	snop  }
0x3c: {  	p2 =	seq.s32 s10, $0x1;
	s10 =	sld [smem:$0x3FA9]  }
0x3d: {  	_ =	shalt  }
0x3e: {  	_ =	shalt  }
0x3f: {  	_ =	shalt  }
0x40: {  	_ =	shalt  }
0x41: {  	_ =	shalt  }
0x42: {  	_ =	shalt  }
0x43: {  	_ =	shalt  }
0x44: {  	_ =	shalt  }
0x45: {  	_ =	shalt  }
0x46: {  	_ =	shalt  }
0x47: {  	_ =	shalt  }
0x48: {  	_ =	shalt  }
0x49: {  	_ =	shalt  }
0x4a: {  	_ =	shalt  }
0x4b: {  	_ =	shalt  }
0x4c: {  	_ =	shalt  }
0x4d: {  	_ =	shalt  }
0x4e: {  	_ =	shalt  }
0x4f: {  	_ =	shalt  }
0x50: {  	_ =	shalt  }
0x51: {  	_ =	shalt  }
0x52: {  	_ =	shalt  }
0x53: {  	_ =	shalt  }
0x54: {  	_ =	shalt  }
0x55: {  	_ =	shalt  }
0x56: {  	_ =	shalt  }
0x57: {  	_ =	shalt  }
0x58: {  	_ =	shalt  }
0x59: {  	_ =	shalt  }
0x5a: {  	_ =	shalt  }
0x5b: {  	_ =	shalt  }
0x5c: {  	_ =	shalt  }
0x5d: {  	_ =	shalt  }
0x5e: {  	_ =	shalt  }
0x5f: {  	_ =	shalt  }
0x60: {  	_ =	shalt  }
0x61: {  	_ =	shalt  }
0x62: {  	_ =	shalt  }
0x63: {  	_ =	shalt  }
0x64: {  	_ =	shalt  }
0x65: {  	_ =	shalt  }
0x66: {  	_ =	shalt  }
0x67: {  	_ =	shalt  }
0x68: {  	_ =	shalt  }
0x69: {  	_ =	shalt  }
0x6a: {  	_ =	shalt  }
0x6b: {  	_ =	shalt  }
0x6c: {  	_ =	shalt  }
0x6d: {  	_ =	shalt  }
0x6e: {  	_ =	shalt  }
0x6f: {  	_ =	shalt  }
0x70: {  	_ =	shalt  }
0x71: {  	_ =	shalt  }
0x72: {  	_ =	shalt  }
0x73: {  	_ =	shalt  }
0x74: {  	_ =	shalt  }
0x75: {  	_ =	shalt  }
0x76: {  	_ =	shalt  }
0x77: {  	_ =	shalt  }
0x78: {  	_ =	shalt  }
0x79: {  	_ =	shalt  }
0x7a: {  	_ =	shalt  }
0x7b: {  	_ =	shalt  }
0x7c: {  	_ =	shalt  }
0x7d: {  	_ =	shalt  }
0x7e: {  	_ =	shalt  }
0x7f: {  	_ =	shalt  }
0x80: {  	_ =	shalt  }
0x81: {  	_ =	shalt  }
0x82: {  	_ =	shalt  }
0x83: {  	_ =	shalt  }
0x84: {  	_ =	shalt  }
0x85: {  	_ =	shalt  }
0x86: {  	_ =	shalt  }
0x87: {  	_ =	shalt  }
.Lfunc_end0:
.L_simem_size_0:
called_computation_lowered:
.L_overlay_start_0:
0x88: {  	s2 =	sld [smem:$0x3FD9]  }
0x89: {  	s3 =	sld [smem:$0x3FFE];
	_ =	sdelay $0x1  }
0x8a: {  	s1 =	srdreg.scid  }
0x8b: {  	s0 =	sand.u32 $0x1, s1  }
0x8c: {  	s16 =	sshll.u32 s0, $0xA;
	s2 =	sadd.s32 s3, s2  }
0x8d: {  	s2 =	sadd.s32 s2, s16  }
0x8e: {  	[smem:$0x3FB5] =	sst s2  }
0x8f: {  	_ = 	snop  }
0x90: {  	(tm) =	ssettm $0x1  }
0x91: {  	s17 =	sld [smem:$0x3FFB];
	_ =	sdelay $0x3  }
0x92: {  	_ =	strace s17  }
0x93: {  	s2 =	sld [smem:$0x3FFC];
	_ =	sdelay $0x3  }
0x94: {  	_ =	strace s2  }
0x95: {  	s2 =	sld [smem:$0x3FFD];
	_ =	sdelay $0x3  }
0x96: {  	_ =	strace s2  }
0x97: {  	_ =	strace $0x8FFFFFFF  }
0x98: {  	s18 =	sld [smem:$0x3FDB];
	_ =	sdelay $0x1  }
0x99: {  	s19 =	simm.s32 $_scs_section_size  }
0x9a: {  	s4 =	simm.s32 $_size__tile_overlayer_lowered;
	s5 =	simm.s32 $_tile_overlayer_lowered  }
0x9b: {  	s22 =	simm.s32 $0x1BFF;
	s21 =	sshll.u32 s5, $0x1;
	s2 =	sadd.s32 s19, s18  }
0x9c: {  	s6 =	simm.s32 $0x0;
	s20 =	sshll.u32 s4, $0x1;
	s4 =	sadd.s32 s21, s2  }
0x9d: {  	[timem:s6], [sflag:s22] =	dma.local [hbm:s4], s20  }
0x9e: {  	_ =	swait.ge [sflag:s22], s20  }
0x9f: {  	s3 =	ssub.s32 $0x0, s20;
	[sflag:s22] =	ssyncset.done $0x0  }
0xa0: {  	[sflag:s22] =	ssyncadd.s32 s3;
	_ =	sdelay $0x1  }
0xa1: {  	s23 =	simm.s32 $0x1B8B  }
0xa2: {  	_ =	swait.ge [sflag:s23], $0x1  }
0xa3: {  	[sflag:s23] =	ssyncset.done $0x0  }
0xa4: {  	s25 =	simm.s32 $0x1B8E;
	s24 =	sld [smem:$0x3FFE];
	[sflag:s23] =	ssyncadd.s32 $0xFFFFFFFF  }
0xa5: {  	s26 =	simm.s32 $execute0_lowered;
	[smem:$0x3FD2] =	sst s25  }
0xa6: {  	s4 =	sshll.u32 s26, $0x1;
	_ =	strace $0x80000046;
	[dreg:$0x1] =	wrdreg $0xFFFFFFFF  }
0xa7: {  	s28 =	simm.s32 $_size_execute0_lowered;
	s2 =	sadd.s32 s2, s4;
	[dreg:$0x0] =	wrdreg $0x0  }
0xa8: {  	s4 =	sshll.u32 s28, $0x1;
	[dreg:$0x2] =	wrdreg s2  }
0xa9: {  	[dreg:$0x3] =	wrdreg s4  }
0xaa: {  	[dreg:$0x4] =	wrdreg $0xC0  }
0xab: {  	_ =	task [dreg:s6], $0x5FFFF  }
0xac: {  	[dreg:$0x1] =	wrdreg $0xFFFFFFFF  }
0xad: {  	[dreg:$0x0] =	wrdreg $0x60  }
0xae: {  	[dreg:$0x2] =	wrdreg s24  }
0xaf: {  	[dreg:$0x3] =	wrdreg $0x0  }
0xb0: {  	[dreg:$0x4] =	wrdreg $0x9  }
0xb1: {  	_ =	task.clear_ibuf [dreg:s6], $0x5FFFF;
	_ =	strace $0x90000046  }
0xb2: {  	s29 =	simm.s32 $0x9;
	_ =	strace $0x80000048  }
0xb3: {  	_ =	swait.ge [sflag:s29], $0x1  }
0xb4: {  	[sflag:s29] =	ssyncadd.s32 $0xFFFFFFFF  }
0xb5: {  	_ =	strace $0x90000048  }
0xb6: {  	_ =	sfence  }
0xb7: {  	s30 =	sld [smem:$0x0];
	_ =	sdelay $0x2  }
0xb8: {  	s31 =	sshll.u32 s1, $0xD;
	s1 =	sshrl.u32 s1, $0x2  }
0xb9: {  	s3 =	sand.u32 $0x4000, s31;
	s1 =	sadd.s32 s1, s30  }
0xba: {  	s0 =	sor.u32 s3, s0;
	s1 =	sshll.u32 s1, $0x11  }
0xbb: {  	s0 =	sor.u32 s1, s0  }
0xbc: {  	s0 =	sadd.s32 $0x8F2B, s0  }
0xbd: {  	[sflag:s0] =	ssyncadd.remote.s32 $0x1  }
0xbe: {  	_ =	sfence.sel $0xFFFF  }
0xbf: {  	[dreg:$0x0] =	wrdreg $0xFFFFFFFF;
	(pc) =	sbr.abs _section_cstart, $3  }
0xc0: {  	[dreg:$0x1] =	wrdreg $0xFFFFFFFF  }
0xc1: {  	_ =	task.clear_ibuf [dreg:s6], $0x2FFFF;
	_ =	strace $0x9FFFFFFF  }
0xc2: {  	(tm) =	ssettm $0x7FFFFFFF  }
0xc3: {  	_ =	shalt  }
tec
execute0_lowered:
.L_overlay_start_1:
0x0: {  	(tag) =	ssettag $0x1  }
0x1: {  	s0 =	rddreg [dreg:$0x0]  }
0x2: {  	s2 =	rddreg [dreg:$0x1]  }
0x3: {  	s3 =	simm.s32 $0x0;
	s13 =	stileid.u32;
	s1 =	srdreg.scid  }
0x4: {  	s29 =	simm.s32 $0x16200;
	s30 =	simm.s32 $0x50;
	s31 =	simm.s32 $0x16380  }
0x5: {  	[smem:$0x7FF] =	sst s3;
	s7 =	smul.u32 $0x278, s13;
	s1 =	sand.u32 $0x1, s1  }
0x6: {  	s4 =	sadd.s32 $0x17800, s0;
	s5 =	sadd.s32 $0xDA00, s0;
	s6 =	sadd.s32 $0x3C00, s0  }
0x7: {  	s12 =	sshll.u32 s13, $0x7;
	s14 =	sadd.s32 $0x3EA00, s0;
	s16 =	sshll.u32 s13, $0x6  }
0x8: {  	s20 =	smul.u32 $0x2710, s13;
	_ =	strace $0x80000047;
	s8 =	sshll.u32 s1, $0x4  }
0x9: {  	s10 =	smul.u32 $0x138800, s1;
	s12 =	sand.u32 $0x380, s12;
	[dreg:$0x3] =	wrdreg s14  }
0xa: {  	s14 =	ssub.s32 $0x2, s1;
	s1 =	smul.u32 $0x27100, s1;
	s7 =	smin.u32 s7, $0x2498  }
0xb: {  	s8 =	sor.u32 s13, s8;
	s15 =	sshrl.u32 s14, $0x1;
	s9 =	sshll.u32 s7, $0x4  }
0xc: {  	s11 =	sshrl.u32 s8, $0x3;
	s7 =	sshll.u32 s7, $0x7;
	s8 =	smul.u32 $0x2710, s8  }
0xd: {  	s1 =	sadd.s32 s20, s1;
	s11 =	smul.u32 $0x14000, s11;
	s9 =	sadd.s32 s9, s0  }
0xe: {  	s10 =	sadd.s32 s10, s7;
	s7 =	sadd.s32 s7, s2;
	s24 =	sadd.s32 $0x190, s1  }
0xf: {  	s25 =	sadd.s32 $0x140, s1;
	s10 =	sshrl.u32 s10, $0x3;
	[dreg:$0x4] =	wrdreg s7  }
0x10: {  	s9 =	sadd.s32 $0x3F000, s9;
	s17 =	sshrl.u32 s8, $0x3;
	s11 =	sor.u32 s12, s11  }
0x11: {  	s28 =	sadd.s32 s10, s0;
	[dreg:$0x5] =	wrdreg s9;
	s8 =	sadd.s32 s5, s17  }
0x12: {  	s18 =	sadd.s32 s6, s17;
	s19 =	sadd.s32 $0xA, s17;
	[dreg:$0x6] =	wrdreg s8  }
0x13: {  	s10 =	sor.u32 $0x1C07, s16;
	[dreg:$0x7] =	wrdreg s18;
	s21 =	sadd.s32 s5, s19  }
0x14: {  	s7 =	sadd.s32 $0x14, s17;
	s8 =	sadd.s32 s6, s19;
	[dreg:$0x8] =	wrdreg s21  }
0x15: {  	s9 =	simm.s32 $0x1;
	s22 =	sadd.s32 s5, s7;
	[dreg:$0x9] =	wrdreg s8  }
0x16: {  	s11 =	sshrl.u32 s11, $0x3;
	s7 =	sadd.s32 s6, s7;
	[dreg:$0xa] =	wrdreg s22  }
0x17: {  	s23 =	sadd.s32 $0x70200, s28;
	s28 =	sadd.s32 $0xF0, s1;
	[dreg:$0xb] =	wrdreg s7  }
0x18: {  	s1 =	simm.s32 $0x16280;
	s0 =	sadd.s32 s11, s0;
	[dreg:$0xc] =	wrdreg s23  }
0x19: {  	s11 =	ssub.s32 s14, s15;
	s7 =	sshrl.u32 s25, $0x3;
	[dreg:$0xf] =	wrdreg s28  }
0x1a: {  	s25 =	simm.s32 $0x7;
	s8 =	simm.s32 $0x18B80;
	s0 =	sadd.s32 $0x66200, s0  }
0x1b: {  	s26 =	smax.u32 s11, $0x1;
	s22 =	sadd.s32 s7, s6;
	s23 =	sadd.s32 s7, s5  }
0x1c: {  	s7 =	simm.s32 $0x5;
	s11 =	simm.s32 $0x0;
	[dreg:$0xd] =	wrdreg s0  }
0x1d: {  	[dreg:$0xe] =	wrdreg s26;
	s0 =	sshrl.u32 s24, $0x3;
	s26 =	simm.s32 $0x13880  }
0x1e: {  	v0 =	vimm.f32 $1.000000000e+00;
	s20 =	sadd.s32 s0, s6;
	s21 =	sadd.s32 s0, s5;
	s0 =	simm.s32 $0x16100  }
.LBB2_1:
0x1f: {  	s12 =	rddreg [dreg:$0x4]  }
0x20: {  	s13 =	rddreg [dreg:$0x5];
	s12 =	sshrl.u32 s12, $0x3  }
0x21: {  	[spmem:s12], [sflag:s10] =	dma.local [hbm:s13], $0x2780  }
0x22: {  	_ =	swait.ge [sflag:s25], $0x2780  }
0x23: {  	[sflag:s25] =	ssyncset.done $0x0  }
0x24: {  	s24 =	rddreg [dreg:$0x3];
	[sflag:s25] =	ssyncadd.s32 $0xFFFFD880  }
0x25: {  	[tilespmem:s26], [sflag:$0x7] =	stream.linear.gather [hbm4b:s24+s3], $0x2800, $0x38;
	[tilespmem:$0x1DB80] =	vst v63  }
0x26: {  	_ =	swait.ge [sflag:s25], $0x2800  }
0x27: {  	[sflag:s25] =	ssyncset.done $0x0  }
0x28: {  	[sflag:s25] =	ssyncadd.s32 $0xFFFFD800  }
0x29: {  	[bflag:$0x0] =	sbarrier.arrive $0xFFFF  }
0x2a: {  	s14 =	simm.s32 $0x16080;
	s28 =	rddreg [dreg:$0x6]  }
0x2b: {  	[tilespmem:s14], [sflag:$0x7] =	stream.linear.gather [hbm4b:s28+s3], $0x50, $0x38;
	[tilespmem:$0x1DB80] =	vst v63  }
0x2c: {  	_ =	swait.ge [sflag:s25], $0x50  }
0x2d: {  	[sflag:s25] =	ssyncset.done $0x0  }
0x2e: {  	s15 =	rddreg [dreg:$0x7];
	[sflag:s25] =	ssyncadd.s32 $0xFFFFFFB0  }
0x2f: {  	[tilespmem:s29], [sflag:$0x7] =	stream.linear.gather [hbm4b:s15+s3], $0x50, $0x38;
	[tilespmem:$0x1DB80] =	vst v63  }
0x30: {  	_ =	swait.ge [sflag:s25], $0x50  }
0x31: {  	[sflag:s25] =	ssyncset.done $0x0  }
0x32: {  	[sflag:s25] =	ssyncadd.s32 $0xFFFFFFB0  }
0x33: {  	[tilespmem:s31], [sflag:$0x1] =	stream.indirect.gather [hbm4b:s4+s30], $0x80, s14, s30, $0xb8;
	[tilespmem:$0x1DB80] =	vst v63  }
0x34: {  	s16 =	rddreg [dreg:$0x8]  }
0x35: {  	[tilespmem:s0], [sflag:$0x5] =	stream.linear.gather [hbm4b:s16+s3], $0x50, $0x38;
	[tilespmem:$0x1DB80] =	vst v63  }
0x36: {  	s17 =	rddreg [dreg:$0x9]  }
0x37: {  	[tilespmem:s1], [sflag:$0x5] =	stream.linear.gather [hbm4b:s17+s3], $0x50, $0x38;
	[tilespmem:$0x1DB80] =	vst v63  }
0x38: {  	_ =	swait.ge [sflag:s7], $0x50  }
0x39: {  	[sflag:s7] =	ssyncset.done $0x0  }
0x3a: {  	[sflag:s7] =	ssyncadd.s32 $0xFFFFFFB0  }
0x3b: {  	_ =	swait.ge [sflag:s7], $0x50  }
0x3c: {  	[sflag:s7] =	ssyncset.done $0x0  }
0x3d: {  	[sflag:s7] =	ssyncadd.s32 $0xFFFFFFB0  }
0x3e: {  	[tilespmem:s8], [sflag:$0x2] =	stream.indirect.gather [hbm4b:s4+s30], $0x80, s0, s30, $0xb8;
	[tilespmem:$0x1DB80] =	vst v63  }
0x3f: {  	s19 =	simm.s32 $0x16180;
	s18 =	rddreg [dreg:$0xa]  }
0x40: {  	[tilespmem:s19], [sflag:$0x6] =	stream.linear.gather [hbm4b:s18+s3], $0x50, $0x38;
	[tilespmem:$0x1DB80] =	vst v63  }
0x41: {  	s28 =	simm.s32 $0x16300;
	s24 =	rddreg [dreg:$0xb]  }
0x42: {  	[tilespmem:s28], [sflag:$0x6] =	stream.linear.gather [hbm4b:s24+s3], $0x50, $0x38;
	[tilespmem:$0x1DB80] =	vst v63  }
0x43: {  	s15 =	simm.s32 $0x0;
	s14 =	simm.s32 $0x0;
	s24 =	rddreg [dreg:$0xf]  }
.LBB2_2:
0x44: {  	_ =	swait.ge [sflag:s9], $0x2800  }
0x45: {  	p0 =	seq.s32 s14, $0x4CE;
	[sflag:s9] =	ssyncset.done $0x0  }
0x46: {  	s16 =	simm.s32 @!p0 $0x6;
	[sflag:s9] =	ssyncadd.s32 $0xFFFFD800  }
0x47: {  	_ =	swait.ge @!p0 [sflag:s16], $0x50  }
0x48: {  	[sflag:s16] =	ssyncset.done @!p0 $0x0  }
0x49: {  	[sflag:s16] =	ssyncadd.s32 @!p0 $0xFFFFFFB0  }
0x4a: {  	_ =	swait.ge @!p0 [sflag:s16], $0x50  }
0x4b: {  	s18 =	simm.s32 @!p0 $0x16180;
	[sflag:s16] =	ssyncset.done @!p0 $0x0  }
0x4c: {  	s17 =	simm.s32 @!p0 $0x1B380;
	[sflag:s16] =	ssyncadd.s32 @!p0 $0xFFFFFFB0;
	s16 =	simm.s32 @!p0 $0x50  }
0x4d: {  	[tilespmem:s17], [sflag:$0x3] =	stream.indirect.gather @!p0 [hbm4b:s4+s16], $0x80, s18, s16, $0xb8;
	[tilespmem:$0x1DB80] =	vst v63  }
0x4e: {  	_ = 	snop  }
0x4f: {  	[spmem:s2] =	stream.indirect.scatter.add.f32 [tilespmem:s31], [sflag:$0x7], $0x80, s29, s30, $0xb8;
	[tilespmem:$0x1DB80] =	vst v63  }
0x50: {  	_ =	swait.ge [sflag:s25], $0x2800  }
0x51: {  	[sflag:s25] =	ssyncset.done $0x0  }
0x52: {  	[sflag:s25] =	ssyncadd.s32 $0xFFFFD800  }
0x53: {  	v1 =	vld [tilespmem:$0x16200];
	_ =	sdelay $0x7  }
0x54: {  	[tilespmem:v1+s26+$0x0] =	vst.idx.add.f32.msk $0xffff, v0  }
0x55: {  	v1 =	vld [tilespmem:$0x16210];
	_ =	sdelay $0x7  }
0x56: {  	[tilespmem:v1+s26+$0x0] =	vst.idx.add.f32.msk $0xffff, v0  }
0x57: {  	v1 =	vld [tilespmem:$0x16220];
	_ =	sdelay $0x7  }
0x58: {  	[tilespmem:v1+s26+$0x0] =	vst.idx.add.f32.msk $0xffff, v0  }
0x59: {  	v1 =	vld [tilespmem:$0x16230];
	_ =	sdelay $0x7  }
0x5a: {  	[tilespmem:v1+s26+$0x0] =	vst.idx.add.f32.msk $0xffff, v0  }
0x5b: {  	v1 =	vld [tilespmem:$0x16240];
	_ =	sdelay $0x7  }
0x5c: {  	s18 =	simm.s32 @p0 $0x2;
	[tilespmem:v1+s26+$0x0] =	vst.idx.add.f32.msk $0xffff, v0  }
0x5d: {  	_ =	swait.ge @p0 [sflag:s18], $0x2800  }
0x5e: {  	[sflag:s18] =	ssyncset.done @p0 $0x0  }
0x5f: {  	[sflag:s18] =	ssyncadd.s32 @p0 $0xFFFFD800;
	s18 =	sshrl.u32 @!p0 s24, $0x3  }
0x60: {  	s28 =	simm.s32 @!p0 $0x0;
	s13 =	simm.s32 @!p0 $0x16080;
	s19 =	sadd.s32 @!p0 s5, s18  }
0x61: {  	[tilespmem:s13], [sflag:$0x4] =	stream.linear.gather @!p0 [hbm4b:s19+s28], $0x50, $0x38;
	[tilespmem:$0x1DB80] =	vst v63  }
0x62: {  	s18 =	sadd.s32 @!p0 s6, s18;
	s19 =	simm.s32 @!p0 $0x16200  }
0x63: {  	[tilespmem:s19], [sflag:$0x4] =	stream.linear.gather @!p0 [hbm4b:s18+s28], $0x50, $0x38;
	[tilespmem:$0x1DB80] =	vst v63  }
0x64: {  	s18 =	simm.s32 @!p0 $0x2  }
0x65: {  	_ =	swait.ge @!p0 [sflag:s18], $0x2800  }
0x66: {  	[sflag:s18] =	ssyncset.done @!p0 $0x0  }
0x67: {  	[sflag:s18] =	ssyncadd.s32 @!p0 $0xFFFFD800;
	s18 =	simm.s32 @!p0 $0x4  }
0x68: {  	_ =	swait.ge @!p0 [sflag:s18], $0x50  }
0x69: {  	[sflag:s18] =	ssyncset.done @!p0 $0x0  }
0x6a: {  	[sflag:s18] =	ssyncadd.s32 @!p0 $0xFFFFFFB0  }
0x6b: {  	_ =	swait.ge @!p0 [sflag:s18], $0x50  }
0x6c: {  	[sflag:s18] =	ssyncset.done @!p0 $0x0  }
0x6d: {  	[sflag:s18] =	ssyncadd.s32 @!p0 $0xFFFFFFB0;
	s18 =	simm.s32 @!p0 $0x16380  }
0x6e: {  	[tilespmem:s18], [sflag:$0x1] =	stream.indirect.gather @!p0 [hbm4b:s4+s16], $0x80, s13, s16, $0xb8;
	[tilespmem:$0x1DB80] =	vst v63  }
0x6f: {  	_ = 	snop  }
0x70: {  	[spmem:s2] =	stream.indirect.scatter.add.f32 [tilespmem:s8], [sflag:$0x7], $0x80, s1, s30, $0xb8;
	[tilespmem:$0x1DB80] =	vst v63  }
0x71: {  	_ =	swait.ge [sflag:s25], $0x2800  }
0x72: {  	[sflag:s25] =	ssyncset.done $0x0  }
0x73: {  	[sflag:s25] =	ssyncadd.s32 $0xFFFFD800  }
0x74: {  	v1 =	vld [tilespmem:$0x16280];
	_ =	sdelay $0x7  }
0x75: {  	[tilespmem:v1+s26+$0x0] =	vst.idx.add.f32.msk $0xffff, v0  }
0x76: {  	v1 =	vld [tilespmem:$0x16290];
	_ =	sdelay $0x7  }
0x77: {  	[tilespmem:v1+s26+$0x0] =	vst.idx.add.f32.msk $0xffff, v0  }
0x78: {  	v1 =	vld [tilespmem:$0x162A0];
	_ =	sdelay $0x7  }
0x79: {  	[tilespmem:v1+s26+$0x0] =	vst.idx.add.f32.msk $0xffff, v0  }
0x7a: {  	v1 =	vld [tilespmem:$0x162B0];
	_ =	sdelay $0x7  }
0x7b: {  	[tilespmem:v1+s26+$0x0] =	vst.idx.add.f32.msk $0xffff, v0  }
0x7c: {  	v1 =	vld [tilespmem:$0x162C0];
	_ =	sdelay $0x7  }
0x7d: {  	s13 =	sadd.s32 @!p0 s14, s23;
	s18 =	simm.s32 @!p0 $0x16100;
	[tilespmem:v1+s26+$0x0] =	vst.idx.add.f32.msk $0xffff, v0  }
0x7e: {  	[tilespmem:s18], [sflag:$0x5] =	stream.linear.gather @!p0 [hbm4b:s13+s28], $0x50, $0x38;
	[tilespmem:$0x1DB80] =	vst v63  }
0x7f: {  	s19 =	simm.s32 @!p0 $0x16280;
	s13 =	sadd.s32 @!p0 s14, s22  }
0x80: {  	[tilespmem:s19], [sflag:$0x5] =	stream.linear.gather @!p0 [hbm4b:s13+s28], $0x50, $0x38;
	[tilespmem:$0x1DB80] =	vst v63  }
0x81: {  	s13 =	simm.s32 @!p0 $0x3  }
0x82: {  	_ =	swait.ge @!p0 [sflag:s13], $0x2800  }
0x83: {  	[sflag:s13] =	ssyncset.done @!p0 $0x0  }
0x84: {  	[sflag:s13] =	ssyncadd.s32 @!p0 $0xFFFFD800;
	s13 =	simm.s32 @!p0 $0x5  }
0x85: {  	_ =	swait.ge @!p0 [sflag:s13], $0x50  }
0x86: {  	[sflag:s13] =	ssyncset.done @!p0 $0x0  }
0x87: {  	[sflag:s13] =	ssyncadd.s32 @!p0 $0xFFFFFFB0  }
0x88: {  	_ =	swait.ge @!p0 [sflag:s13], $0x50  }
0x89: {  	[sflag:s13] =	ssyncset.done @!p0 $0x0  }
0x8a: {  	[sflag:s13] =	ssyncadd.s32 @!p0 $0xFFFFFFB0;
	s13 =	simm.s32 @!p0 $0x18B80  }
0x8b: {  	[tilespmem:s13], [sflag:$0x2] =	stream.indirect.gather @!p0 [hbm4b:s4+s16], $0x80, s18, s16, $0xb8;
	[tilespmem:$0x1DB80] =	vst v63  }
0x8c: {  	s13 =	simm.s32 @!p0 $0x16300  }
0x8d: {  	[spmem:s2] =	stream.indirect.scatter.add.f32 @!p0 [tilespmem:s17], [sflag:$0x7], $0x80, s13, s16, $0xb8;
	[tilespmem:$0x1DB80] =	vst v63  }
0x8e: {  	s13 =	simm.s32 @!p0 $0x7  }
0x8f: {  	_ =	swait.ge @!p0 [sflag:s13], $0x2800  }
0x90: {  	[sflag:s13] =	ssyncset.done @!p0 $0x0  }
0x91: {  	[sflag:s13] =	ssyncadd.s32 @!p0 $0xFFFFD800  }
0x92: {  	v1 =	vld @!p0 [tilespmem:$0x16300];
	_ =	sdelay $0x6  }
0x93: {  	v2 =	vimm.f32 @!p0 $1.000000000e+00;
	s13 =	simm.s32 @!p0 $0x13880  }
0x94: {  	[tilespmem:v1+s13+$0x0] =	vst.idx.add.f32.msk @!p0 $0xffff, v2  }
0x95: {  	v1 =	vld @!p0 [tilespmem:$0x16310];
	_ =	sdelay $0x7  }
0x96: {  	[tilespmem:v1+s13+$0x0] =	vst.idx.add.f32.msk @!p0 $0xffff, v2  }
0x97: {  	v1 =	vld @!p0 [tilespmem:$0x16320];
	_ =	sdelay $0x7  }
0x98: {  	[tilespmem:v1+s13+$0x0] =	vst.idx.add.f32.msk @!p0 $0xffff, v2  }
0x99: {  	v1 =	vld @!p0 [tilespmem:$0x16330];
	_ =	sdelay $0x7  }
0x9a: {  	[tilespmem:v1+s13+$0x0] =	vst.idx.add.f32.msk @!p0 $0xffff, v2  }
0x9b: {  	v1 =	vld @!p0 [tilespmem:$0x16340];
	_ =	sdelay $0x5  }
0x9c: {  	p1 =	sgt.u32 @!p0 s15, $0x27  }
0x9d: {  	p1 =	por p1, p0  }
0x9e: {  	s16 =	simm.s32 @!p1 $0x0;
	s17 =	simm.s32 @!p1 $0x16180;
	[tilespmem:v1+s13+$0x0] =	vst.idx.add.f32.msk @!p0 $0xffff, v2;
	s13 =	sadd.s32 @!p1 s14, s21  }
0x9f: {  	[tilespmem:s17], [sflag:$0x6] =	stream.linear.gather @!p1 [hbm4b:s13+s16], $0x50, $0x38;
	[tilespmem:$0x1DB80] =	vst v63  }
0xa0: {  	s13 =	sadd.s32 @!p1 s14, s20;
	s17 =	simm.s32 @!p1 $0x16300;
	s14 =	sadd.s32 @!p0 $0x1E, s14  }
0xa1: {  	[tilespmem:s17], [sflag:$0x6] =	stream.linear.gather @!p1 [hbm4b:s13+s16], $0x50, $0x38;
	[tilespmem:$0x1DB80] =	vst v63  }
0xa2: {  	p1 =	sne.s32 @!p0 s14, $0x4EC  }
0xa3: {  	p1 =	por p0, !p1  }
.Ltmp0:
0xa4: {  	_ = 	snop;
	(pc) =	sbr.rel @!p1 .LBB2_2-.Ltmp0, $2  }
0xa5: {  	_ =	sdelay $0x2  }
0xa6: {  	s15 =	sadd.s32 @!p0 $0x1, s15;
	s24 =	sadd.s32 @!p0 $0xF0, s24  }
0xa7: {  	[bflag:$0x0] =	sbarrier.arrive $0xFFFF  }
0xa8: {  	s13 =	rddreg [dreg:$0xc]  }
0xa9: {  	[hbm:s13], [sflag:s10] =	dma.local [spmem:s12], $0x2780  }
0xaa: {  	_ =	swait.ge [sflag:s25], $0x2780  }
0xab: {  	s24 =	simm.s32 $0x80;
	[sflag:s25] =	ssyncset.done $0x0  }
0xac: {  	s14 =	simm.s32 $0x400;
	s19 =	rddreg [dreg:$0xd];
	[sflag:s25] =	ssyncadd.s32 $0xFFFFD880  }
0xad: {  	[hbm4b:s19+s24] =	stream.strided.scatter [tilespmem:s26], [sflag:$0x7], $0x2800, s14, s24, $0x38;
	[tilespmem:$0x1DB80] =	vst v63  }
0xae: {  	_ =	swait.ge [sflag:s25], $0x2800  }
0xaf: {  	s11 =	sadd.s32 $0x1, s11;
	s28 =	rddreg [dreg:$0xe]  }
0xb0: {  	p0 =	sne.s32 s11, s28  }
.Ltmp1:
0xb1: {  	_ = 	snop;
	(pc) =	sbr.rel @p0 .LBB2_1-.Ltmp1, $3  }
0xb2: {  	_ =	sdelay $0x1  }
0xb3: {  	[sflag:s25] =	ssyncset.done $0x0  }
0xb4: {  	[sflag:s25] =	ssyncadd.s32 $0xFFFFD800  }
0xb5: {  	_ =	sfence.sel $0x180000  }
0xb6: {  	[bflag:$0x0] =	sbarrier.arrive $0xFFFF  }
0xb7: {  	_ =	strace $0x90000047  }
0xb8: {  	s0 =	stileid.u32;
	[bflag:$0x2] =	sbarrier.arrive $0xFFFF  }
0xb9: {  	p0 =	sne.s32 s0, $0x0;
	s0 =	rddreg [dreg:$0x2]  }
0xba: {  	s0 =	sadd.s32 @!p0 $0x100000, s0  }
0xbb: {  	[sflag:s0] =	ssyncadd.tile.s32 @!p0 $0x1;
	_ =	shalt  }
.Lfunc_end2:
_tile_overlayer_lowered:
.L_overlay_start_2:
0xbc: {  	(tag) =	ssettag $0x2  }
0xbd: {  	s0 =	rddreg [dreg:$0x0];
	s2 =	stileid.u32  }
0xbe: {  	s1 =	rddreg [dreg:$0x1];
	p0 =	sne.s32 s2, $0x0  }
0xbf: {  	s3 =	rddreg [dreg:$0x2];
	[bflag:$0x3] =	sbarrier.arrive $0xFFFF;
	s2 =	simm.s32 @!p0 $0x1C07  }
0xc0: {  	[timem:s3], [sflag:s2] =	dma.local @!p0 [hbm:s0], s1  }
0xc1: {  	s0 =	simm.s32 @!p0 $0x7  }
0xc2: {  	_ =	swait.ge @!p0 [sflag:s0], s1  }
0xc3: {  	s1 =	ssub.s32 @!p0 $0x0, s1;
	[sflag:s0] =	ssyncset.done @!p0 $0x0  }
0xc4: {  	[sflag:s0] =	ssyncadd.s32 @!p0 s1  }
0xc5: {  	[bflag:$0x3] =	sbarrier.arrive $0xFFFF  }
0xc6: {  	_ =	shalt  }

</sc_bundles>
